<compile_context>
chip_gen: v7x
topology: tpu7x:2x2x1
jax: 0.10.2.dev20260603
libtpu: 0.0.44.dev20260713+nightly
codegen_flags: <defaults>
</compile_context>

<pallas_src>
import functools

import jax
import jax.numpy as jnp
from jax import lax
from jax.experimental import pallas as pl
from jax.experimental.pallas import tpu as pltpu
from jax.experimental.pallas import tpu_sc as plsc

NUM_CODES = 512
CODE_DIM = 32
BATCH = 65536
TILE = 4096
CHUNKS = 1
CHUNK = BATCH // CHUNKS

_SC_CORES = 2
_SC_SUBCORES = 16


def _argmin_kernel(zt_ref, cb_ref, idx_ref, loss_ref):
    i = pl.program_id(0)
    zt = zt_ref[...]
    cb = cb_ref[...]

    z2 = jnp.sum(zt * zt, axis=0, keepdims=True)
    cb2 = jnp.sum(cb * cb, axis=1, keepdims=True)
    dotm2 = jax.lax.dot_general(
        -2.0 * cb, zt,
        dimension_numbers=(((1,), (0,)), ((), ())),
        preferred_element_type=jnp.float32,
    )
    d = (z2 + dotm2) + cb2
    m = jnp.min(d, axis=0, keepdims=True)
    code_iota = jax.lax.broadcasted_iota(jnp.int32, (NUM_CODES, TILE), 0)
    idx = jnp.min(jnp.where(d == m, code_iota, NUM_CODES),
                  axis=0, keepdims=True)
    idx_ref[...] = idx.reshape(TILE)

    part = jnp.sum(m)
    acc = jnp.where(i == 0, jnp.zeros((1, 1), jnp.float32), loss_ref[...])
    loss_ref[...] = acc + part


def _tc_argmin(zt, codebook, chunk):
    tiles = CHUNK // TILE
    idx, loss_sum = pl.pallas_call(
        _argmin_kernel,
        grid=(tiles,),
        in_specs=[
            pl.BlockSpec((CODE_DIM, TILE),
                         lambda i, c=chunk, t=tiles: (0, c * t + i)),
            pl.BlockSpec((NUM_CODES, CODE_DIM), lambda i: (0, 0)),
        ],
        out_specs=[
            pl.BlockSpec((TILE,), lambda i: (i,)),
            pl.BlockSpec((1, 1), lambda i: (0, 0)),
        ],
        out_shape=[
            jax.ShapeDtypeStruct((CHUNK,), jnp.int32),
            jax.ShapeDtypeStruct((1, 1), jnp.float32),
        ],
    )(zt, codebook)
    return idx, loss_sum


def _sc_gather(codebook, idx):
    nw = _SC_CORES * _SC_SUBCORES
    b_per_w = CHUNK // nw
    mesh = plsc.VectorSubcoreMesh(core_axis_name="c", subcore_axis_name="s")

    @functools.partial(
        pl.kernel, mesh=mesh,
        compiler_params=pltpu.CompilerParams(use_tc_tiling_on_sc=False),
        out_type=jax.ShapeDtypeStruct((CHUNK, CODE_DIM), jnp.float32),
        scratch_types=[
            pltpu.VMEM((b_per_w,), jnp.int32),
            pltpu.VMEM((b_per_w, CODE_DIM), jnp.float32),
            pltpu.SemaphoreType.DMA,
        ],
    )
    def gather(table_hbm, idx_hbm, out_hbm, idx_v, rows_v, sem):
        wid = lax.axis_index("s") * _SC_CORES + lax.axis_index("c")
        base = wid * b_per_w
        pltpu.sync_copy(idx_hbm.at[pl.ds(base, b_per_w)], idx_v)
        pltpu.async_copy(table_hbm.at[idx_v], rows_v, sem).wait()
        pltpu.sync_copy(rows_v, out_hbm.at[pl.ds(base, b_per_w)])

    return gather(codebook, idx)


_TILE_ROWS = CODE_DIM // 8
_LANE_TILES = BATCH // 128


def _sc_gather_tiled(codebook_flat, idx):
    nw = _SC_CORES * _SC_SUBCORES
    b_per_w = BATCH // nw
    groups = b_per_w // 16
    tiles_w = b_per_w // 128
    mesh = plsc.VectorSubcoreMesh(core_axis_name="c", subcore_axis_name="s")

    @functools.partial(
        pl.kernel, mesh=mesh,
        compiler_params=pltpu.CompilerParams(use_tc_tiling_on_sc=False,
                                             needs_layout_passes=False),
        out_type=jax.ShapeDtypeStruct(
            (_TILE_ROWS, BATCH * CODE_DIM // _TILE_ROWS), jnp.float32),
        scratch_types=[
            pltpu.VMEM((b_per_w,), jnp.int32),
            pltpu.VMEM((NUM_CODES * CODE_DIM,), jnp.float32),
            pltpu.VMEM((b_per_w * CODE_DIM,), jnp.float32),
        ],
    )
    def gather(table_hbm, idx_hbm, out_hbm, idx_v, cb_v, buf_v):
        wid = lax.axis_index("s") * _SC_CORES + lax.axis_index("c")
        base = wid * b_per_w
        pltpu.sync_copy(idx_hbm.at[pl.ds(base, b_per_w)], idx_v)
        pltpu.sync_copy(table_hbm, cb_v)

        @plsc.parallel_loop(0, groups, 1, unroll=4)
        def body(j):
            iv = idx_v[pl.ds(j * 16, 16)]
            iv32 = iv * CODE_DIM
            tl = j // 8
            off = (j % 8) * 16
            col_base = tl * 1024 + off
            for k in range(CODE_DIM):
                vals = plsc.load_gather(cb_v, [iv32 + k])
                rr, r = k // 8, k % 8
                buf_v[pl.ds(col_base + rr * (tiles_w * 1024) + r * 128, 16)] \
                    = vals

        per_row = tiles_w * 1024
        for rr in range(_TILE_ROWS):
            pltpu.sync_copy(
                buf_v.at[pl.ds(rr * per_row, per_row)],
                out_hbm.at[rr, pl.ds(wid * per_row, per_row)])

    out = gather(codebook_flat, idx)
    return (out.reshape(_TILE_ROWS, _LANE_TILES, 8, 128)
            .transpose(1, 3, 0, 2).reshape(BATCH, CODE_DIM))


@jax.jit
def kernel(z_e, codebook):
    zt = z_e.T
    idxs, loss_sums = [], []
    for c in range(CHUNKS):
        idx_c, loss_c = _tc_argmin(zt, codebook, c)
        idxs.append(idx_c)
        loss_sums.append(loss_c[0, 0])
    idx = jnp.concatenate(idxs, axis=0) if CHUNKS > 1 else idxs[0]
    zq = _sc_gather_tiled(codebook.reshape(NUM_CODES * CODE_DIM), idx)
    commitment_loss = sum(loss_sums) / (BATCH * CODE_DIM)
    return (zq, idx, commitment_loss)

# --- scband reference (transcript-rebuilt; emitter-appended) ---
"""Pipeline reference for scband-vqcodebook-12996571037935 (READ-ONLY COPY).

The authoritative reference and input builder live on the scoring server;
editing this copy changes nothing except your own understanding.
"""

import jax, jax.numpy as jnp
import numpy as np

NUM_CODES = 512
CODE_DIM = 32
BATCH = 65536


def setup_inputs(seed: int = 0) -> dict:
    key = jax.random.key(seed)
    k1, k2 = jax.random.split(key)
    z_e = jax.random.normal(k1, (BATCH, CODE_DIM), dtype=jnp.float32)
    codebook = jax.random.uniform(k2, (NUM_CODES, CODE_DIM), dtype=jnp.float32,
                                  minval=-1.0 / CODE_DIM, maxval=1.0 / CODE_DIM)
    return {"z_e": z_e, "codebook": codebook}


def _pairwise_distances(z_e, codebook):
    # ||z_e||^2 - 2 z_e @ E^T + ||E||^2
    return (jnp.sum(z_e ** 2, axis=1, keepdims=True)
            - 2.0 * (z_e @ codebook.T)
            + jnp.sum(codebook ** 2, axis=1))


def reference(z_e, codebook):
    distances = _pairwise_distances(z_e, codebook)
    indices = jnp.argmin(distances, axis=1)
    z_q = jnp.take(codebook, indices, axis=0)
    z_q_st = z_e + jax.lax.stop_gradient(z_q - z_e)
    commitment_loss = jnp.mean((jax.lax.stop_gradient(z_e) - z_q) ** 2)
    return (z_q_st, indices, commitment_loss)

if __name__ == "__main__":
    import jax
    _d = setup_inputs()
    print(jax.jit(kernel)(*tuple(_d.values())))

</pallas_src>

<mosaic_0001>
#map = affine_map<(d0, d1) -> (0)>
#map1 = affine_map<(d0, d1) -> (0, 0)>
module attributes {stable_mosaic.version = 14 : i64} {
  func.func @gather(%arg0: i32, %arg1: i32, %arg2: memref<16384xf32, #tpu.memory_space<hbm>>, %arg3: memref<65536xi32, #tpu.memory_space<hbm>>, %arg4: memref<4x524288xf32, #tpu.memory_space<hbm>>, %arg5: memref<2048xi32, #tpu.memory_space<vmem>>, %arg6: memref<16384xf32, #tpu.memory_space<vmem>>, %arg7: memref<65536xf32, #tpu.memory_space<vmem>>) attributes {dimension_semantics = [#tpu.dimension_semantics<core_parallel>, #tpu.dimension_semantics<subcore_parallel>], iteration_bounds = array<i64: 2, 16>, scalar_prefetch = 0 : i64, scratch_operands = 3 : i64, tpu.core_type = #tpu.core_type<sc_vector_subcore>, window_params = [{transform_indices = #map}, {transform_indices = #map}, {transform_indices = #map1}]} {
    %mul3A = arith.constant 2 : i32
    %mul3A_0 = arith.muli %arg1, %mul3A : i32
    %add3A = arith.addi %mul3A_0, %arg0 : i32
    %mul3A_1 = arith.constant 2048 : i32
    %mul3A_2 = arith.muli %add3A, %mul3A_1 : i32
    "tpu.region"() ({
      %run_scoped3A_16 = tpu.sem_alloc : memref<!tpu.dma_semaphore, #tpu.memory_space<semaphore_mem>>
      %dma_start3A = tpu.memref_slice %arg3[%mul3A_2] : memref<65536xi32, #tpu.memory_space<hbm>> -> memref<2048xi32, #tpu.memory_space<hbm>>
      %dma_start3A_17 = tpu.memref_slice %arg3[%mul3A_2] : memref<65536xi32, #tpu.memory_space<hbm>> -> memref<2048xi32, #tpu.memory_space<hbm>>
      tpu.enqueue_dma source(%dma_start3A_17 : memref<2048xi32, #tpu.memory_space<hbm>>) target(%arg5 : memref<2048xi32, #tpu.memory_space<vmem>>) target_semaphore(%run_scoped3A_16 : memref<!tpu.dma_semaphore, #tpu.memory_space<semaphore_mem>>)
      %dma_wait3A = tpu.memref_slice %arg3[%mul3A_2] : memref<65536xi32, #tpu.memory_space<hbm>> -> memref<2048xi32, #tpu.memory_space<hbm>>
      %dma_wait3A_18 = tpu.memref_slice %arg3[%mul3A_2] : memref<65536xi32, #tpu.memory_space<hbm>> -> memref<2048xi32, #tpu.memory_space<hbm>>
      tpu.wait_dma2 semaphore(%run_scoped3A_16 : memref<!tpu.dma_semaphore, #tpu.memory_space<semaphore_mem>>) src(%dma_wait3A_18 : memref<2048xi32, #tpu.memory_space<hbm>>) dst(%arg5 : memref<2048xi32, #tpu.memory_space<vmem>>)
      tpu.yield
    }) : () -> ()
    "tpu.region"() ({
      %run_scoped3A_16 = tpu.sem_alloc : memref<!tpu.dma_semaphore, #tpu.memory_space<semaphore_mem>>
      tpu.enqueue_dma source(%arg2 : memref<16384xf32, #tpu.memory_space<hbm>>) target(%arg6 : memref<16384xf32, #tpu.memory_space<vmem>>) target_semaphore(%run_scoped3A_16 : memref<!tpu.dma_semaphore, #tpu.memory_space<semaphore_mem>>)
      tpu.wait_dma2 semaphore(%run_scoped3A_16 : memref<!tpu.dma_semaphore, #tpu.memory_space<semaphore_mem>>) src(%arg2 : memref<16384xf32, #tpu.memory_space<hbm>>) dst(%arg6 : memref<16384xf32, #tpu.memory_space<vmem>>)
      tpu.yield
    }) : () -> ()
    %parallel_loop3A = arith.constant 0 : i32
    %parallel_loop3A_3 = arith.constant 128 : i32
    %parallel_loop3A_4 = arith.constant 1 : i32
    scf.for %parallel_loop3A_16 = %parallel_loop3A to %parallel_loop3A_3 step %parallel_loop3A_4  : i32 {
      %parallel_loop3A_17 = arith.constant 16 : i32
      %parallel_loop3A_18 = arith.muli %parallel_loop3A_16, %parallel_loop3A_17 : i32
      %parallel_loop3A_19 = arith.index_cast %parallel_loop3A_18 : i32 to index
      %parallel_loop3A_20 = tpu.vector_load %arg5[%parallel_loop3A_19] {strides = array<i32>} : memref<2048xi32, #tpu.memory_space<vmem>>, vector<16xi32>,
      %parallel_loop3A_21 = arith.constant 32 : i32
      %parallel_loop3A_22 = vector.broadcast %parallel_loop3A_21 : i32 to vector<16xi32>
      %parallel_loop3A_23 = arith.muli %parallel_loop3A_20, %parallel_loop3A_22 : vector<16xi32>
      %parallel_loop3A_24 = arith.constant 8 : i32
      %parallel_loop3A_25 = arith.divsi %parallel_loop3A_16, %parallel_loop3A_24 : i32
      %parallel_loop3A_26 = arith.constant 0 : i32
      %parallel_loop3A_27 = arith.cmpi sgt, %parallel_loop3A_16, %parallel_loop3A_26 : i32
      %parallel_loop3A_28 = arith.extui %parallel_loop3A_27 : i1 to i32
      %parallel_loop3A_29 = arith.constant 0 : i32
      %parallel_loop3A_30 = arith.cmpi slt, %parallel_loop3A_16, %parallel_loop3A_29 : i32
      %parallel_loop3A_31 = arith.extui %parallel_loop3A_30 : i1 to i32
      %parallel_loop3A_32 = arith.subi %parallel_loop3A_28, %parallel_loop3A_31 : i32
      %parallel_loop3A_33 = arith.constant 0 : i32
      %parallel_loop3A_34 = arith.cmpi sgt, %parallel_loop3A_24, %parallel_loop3A_33 : i32
      %parallel_loop3A_35 = arith.extui %parallel_loop3A_34 : i1 to i32
      %parallel_loop3A_36 = arith.constant 0 : i32
      %parallel_loop3A_37 = arith.cmpi slt, %parallel_loop3A_24, %parallel_loop3A_36 : i32
      %parallel_loop3A_38 = arith.extui %parallel_loop3A_37 : i1 to i32
      %parallel_loop3A_39 = arith.subi %parallel_loop3A_35, %parallel_loop3A_38 : i32
      %parallel_loop3A_40 = arith.cmpi ne, %parallel_loop3A_32, %parallel_loop3A_39 : i32
      %parallel_loop3A_41 = arith.remsi %parallel_loop3A_16, %parallel_loop3A_24 : i32
      %parallel_loop3A_42 = arith.constant 0 : i32
      %parallel_loop3A_43 = arith.cmpi ne, %parallel_loop3A_41, %parallel_loop3A_42 : i32
      %parallel_loop3A_44 = arith.andi %parallel_loop3A_40, %parallel_loop3A_43 : i1
      %parallel_loop3A_45 = arith.constant 1 : i32
      %parallel_loop3A_46 = arith.subi %parallel_loop3A_25, %parallel_loop3A_45 : i32
      %parallel_loop3A_47 = arith.select %parallel_loop3A_44, %parallel_loop3A_46, %parallel_loop3A_25 : i32
      %parallel_loop3A_48 = arith.constant 8 : i32
      %parallel_loop3A_49 = arith.constant 0 : i32
      %parallel_loop3A_50 = arith.cmpi eq, %parallel_loop3A_48, %parallel_loop3A_49 : i32
      %parallel_loop3A_51 = arith.constant 1 : i32
      %parallel_loop3A_52 = arith.select %parallel_loop3A_50, %parallel_loop3A_51, %parallel_loop3A_48 : i32
      %parallel_loop3A_53 = arith.remsi %parallel_loop3A_16, %parallel_loop3A_52 : i32
      %parallel_loop3A_54 = arith.constant 0 : i32
      %parallel_loop3A_55 = arith.cmpi ne, %parallel_loop3A_53, %parallel_loop3A_54 : i32
      %parallel_loop3A_56 = arith.constant 0 : i32
      %parallel_loop3A_57 = arith.cmpi slt, %parallel_loop3A_53, %parallel_loop3A_56 : i32
      %parallel_loop3A_58 = arith.constant 0 : i32
      %parallel_loop3A_59 = arith.cmpi slt, %parallel_loop3A_52, %parallel_loop3A_58 : i32
      %parallel_loop3A_60 = arith.xori %parallel_loop3A_57, %parallel_loop3A_59 : i1
      %parallel_loop3A_61 = arith.andi %parallel_loop3A_60, %parallel_loop3A_55 : i1
      %parallel_loop3A_62 = arith.addi %parallel_loop3A_53, %parallel_loop3A_52 : i32
      %parallel_loop3A_63 = arith.select %parallel_loop3A_61, %parallel_loop3A_62, %parallel_loop3A_53 : i32
      %parallel_loop3A_64 = arith.constant 16 : i32
      %parallel_loop3A_65 = arith.muli %parallel_loop3A_63, %parallel_loop3A_64 : i32
      %parallel_loop3A_66 = arith.constant 1024 : i32
      %parallel_loop3A_67 = arith.muli %parallel_loop3A_47, %parallel_loop3A_66 : i32
      %parallel_loop3A_68 = arith.addi %parallel_loop3A_67, %parallel_loop3A_65 : i32
      %parallel_loop3A_69 = arith.constant 0 : i32
      %parallel_loop3A_70 = vector.broadcast %parallel_loop3A_69 : i32 to vector<16xi32>
      %parallel_loop3A_71 = arith.addi %parallel_loop3A_23, %parallel_loop3A_70 : vector<16xi32>
      %parallel_loop3A_72 = tpu.vector_load_idx %arg6[%parallel_loop3A_71] : memref<16384xf32, #tpu.memory_space<vmem>>[vector<16xi32>], vector<16xf32>,
      %parallel_loop3A_73 = arith.constant 0 : i32
      %parallel_loop3A_74 = arith.addi %parallel_loop3A_68, %parallel_loop3A_73 : i32
      %parallel_loop3A_75 = arith.constant 0 : i32
      %parallel_loop3A_76 = arith.addi %parallel_loop3A_74, %parallel_loop3A_75 : i32
      %parallel_loop3A_77 = arith.index_cast %parallel_loop3A_76 : i32 to index
      %parallel_loop3A_78 = tpu.vector_load %arg7[%parallel_loop3A_77] {strides = array<i32>} : memref<65536xf32, #tpu.memory_space<vmem>>, vector<16xf32>,
      tpu.vector_store %arg7[%parallel_loop3A_77], %parallel_loop3A_72 {strides = array<i32>} : memref<65536xf32, #tpu.memory_space<vmem>>, vector<16xf32>,
      %parallel_loop3A_79 = arith.constant 1 : i32
      %parallel_loop3A_80 = vector.broadcast %parallel_loop3A_79 : i32 to vector<16xi32>
      %parallel_loop3A_81 = arith.addi %parallel_loop3A_23, %parallel_loop3A_80 : vector<16xi32>
      %parallel_loop3A_82 = tpu.vector_load_idx %arg6[%parallel_loop3A_81] : memref<16384xf32, #tpu.memory_space<vmem>>[vector<16xi32>], vector<16xf32>,
      %parallel_loop3A_83 = arith.constant 0 : i32
      %parallel_loop3A_84 = arith.addi %parallel_loop3A_68, %parallel_loop3A_83 : i32
      %parallel_loop3A_85 = arith.constant 128 : i32
      %parallel_loop3A_86 = arith.addi %parallel_loop3A_84, %parallel_loop3A_85 : i32
      %parallel_loop3A_87 = arith.index_cast %parallel_loop3A_86 : i32 to index
      %parallel_loop3A_88 = tpu.vector_load %arg7[%parallel_loop3A_87] {strides = array<i32>} : memref<65536xf32, #tpu.memory_space<vmem>>, vector<16xf32>,
      tpu.vector_store %arg7[%parallel_loop3A_87], %parallel_loop3A_82 {strides = array<i32>} : memref<65536xf32, #tpu.memory_space<vmem>>, vector<16xf32>,
      %parallel_loop3A_89 = arith.constant 2 : i32
      %parallel_loop3A_90 = vector.broadcast %parallel_loop3A_89 : i32 to vector<16xi32>
      %parallel_loop3A_91 = arith.addi %parallel_loop3A_23, %parallel_loop3A_90 : vector<16xi32>
      %parallel_loop3A_92 = tpu.vector_load_idx %arg6[%parallel_loop3A_91] : memref<16384xf32, #tpu.memory_space<vmem>>[vector<16xi32>], vector<16xf32>,
      %parallel_loop3A_93 = arith.constant 0 : i32
      %parallel_loop3A_94 = arith.addi %parallel_loop3A_68, %parallel_loop3A_93 : i32
      %parallel_loop3A_95 = arith.constant 256 : i32
      %parallel_loop3A_96 = arith.addi %parallel_loop3A_94, %parallel_loop3A_95 : i32
      %parallel_loop3A_97 = arith.index_cast %parallel_loop3A_96 : i32 to index
      %parallel_loop3A_98 = tpu.vector_load %arg7[%parallel_loop3A_97] {strides = array<i32>} : memref<65536xf32, #tpu.memory_space<vmem>>, vector<16xf32>,
      tpu.vector_store %arg7[%parallel_loop3A_97], %parallel_loop3A_92 {strides = array<i32>} : memref<65536xf32, #tpu.memory_space<vmem>>, vector<16xf32>,
      %parallel_loop3A_99 = arith.constant 3 : i32
      %parallel_loop3A_100 = vector.broadcast %parallel_loop3A_99 : i32 to vector<16xi32>
      %parallel_loop3A_101 = arith.addi %parallel_loop3A_23, %parallel_loop3A_100 : vector<16xi32>
      %parallel_loop3A_102 = tpu.vector_load_idx %arg6[%parallel_loop3A_101] : memref<16384xf32, #tpu.memory_space<vmem>>[vector<16xi32>], vector<16xf32>,
      %parallel_loop3A_103 = arith.constant 0 : i32
      %parallel_loop3A_104 = arith.addi %parallel_loop3A_68, %parallel_loop3A_103 : i32
      %parallel_loop3A_105 = arith.constant 384 : i32
      %parallel_loop3A_106 = arith.addi %parallel_loop3A_104, %parallel_loop3A_105 : i32
      %parallel_loop3A_107 = arith.index_cast %parallel_loop3A_106 : i32 to index
      %parallel_loop3A_108 = tpu.vector_load %arg7[%parallel_loop3A_107] {strides = array<i32>} : memref<65536xf32, #tpu.memory_space<vmem>>, vector<16xf32>,
      tpu.vector_store %arg7[%parallel_loop3A_107], %parallel_loop3A_102 {strides = array<i32>} : memref<65536xf32, #tpu.memory_space<vmem>>, vector<16xf32>,
      %parallel_loop3A_109 = arith.constant 4 : i32
      %parallel_loop3A_110 = vector.broadcast %parallel_loop3A_109 : i32 to vector<16xi32>
      %parallel_loop3A_111 = arith.addi %parallel_loop3A_23, %parallel_loop3A_110 : vector<16xi32>
      %parallel_loop3A_112 = tpu.vector_load_idx %arg6[%parallel_loop3A_111] : memref<16384xf32, #tpu.memory_space<vmem>>[vector<16xi32>], vector<16xf32>,
      %parallel_loop3A_113 = arith.constant 0 : i32
      %parallel_loop3A_114 = arith.addi %parallel_loop3A_68, %parallel_loop3A_113 : i32
      %parallel_loop3A_115 = arith.constant 512 : i32
      %parallel_loop3A_116 = arith.addi %parallel_loop3A_114, %parallel_loop3A_115 : i32
      %parallel_loop3A_117 = arith.index_cast %parallel_loop3A_116 : i32 to index
      %parallel_loop3A_118 = tpu.vector_load %arg7[%parallel_loop3A_117] {strides = array<i32>} : memref<65536xf32, #tpu.memory_space<vmem>>, vector<16xf32>,
      tpu.vector_store %arg7[%parallel_loop3A_117], %parallel_loop3A_112 {strides = array<i32>} : memref<65536xf32, #tpu.memory_space<vmem>>, vector<16xf32>,
      %parallel_loop3A_119 = arith.constant 5 : i32
      %parallel_loop3A_120 = vector.broadcast %parallel_loop3A_119 : i32 to vector<16xi32>
      %parallel_loop3A_121 = arith.addi %parallel_loop3A_23, %parallel_loop3A_120 : vector<16xi32>
      %parallel_loop3A_122 = tpu.vector_load_idx %arg6[%parallel_loop3A_121] : memref<16384xf32, #tpu.memory_space<vmem>>[vector<16xi32>], vector<16xf32>,
      %parallel_loop3A_123 = arith.constant 0 : i32
      %parallel_loop3A_124 = arith.addi %parallel_loop3A_68, %parallel_loop3A_123 : i32
      %parallel_loop3A_125 = arith.constant 640 : i32
      %parallel_loop3A_126 = arith.addi %parallel_loop3A_124, %parallel_loop3A_125 : i32
      %parallel_loop3A_127 = arith.index_cast %parallel_loop3A_126 : i32 to index
      %parallel_loop3A_128 = tpu.vector_load %arg7[%parallel_loop3A_127] {strides = array<i32>} : memref<65536xf32, #tpu.memory_space<vmem>>, vector<16xf32>,
      tpu.vector_store %arg7[%parallel_loop3A_127], %parallel_loop3A_122 {strides = array<i32>} : memref<65536xf32, #tpu.memory_space<vmem>>, vector<16xf32>,
      %parallel_loop3A_129 = arith.constant 6 : i32
      %parallel_loop3A_130 = vector.broadcast %parallel_loop3A_129 : i32 to vector<16xi32>
      %parallel_loop3A_131 = arith.addi %parallel_loop3A_23, %parallel_loop3A_130 : vector<16xi32>
      %parallel_loop3A_132 = tpu.vector_load_idx %arg6[%parallel_loop3A_131] : memref<16384xf32, #tpu.memory_space<vmem>>[vector<16xi32>], vector<16xf32>,
      %parallel_loop3A_133 = arith.constant 0 : i32
      %parallel_loop3A_134 = arith.addi %parallel_loop3A_68, %parallel_loop3A_133 : i32
      %parallel_loop3A_135 = arith.constant 768 : i32
      %parallel_loop3A_136 = arith.addi %parallel_loop3A_134, %parallel_loop3A_135 : i32
      %parallel_loop3A_137 = arith.index_cast %parallel_loop3A_136 : i32 to index
      %parallel_loop3A_138 = tpu.vector_load %arg7[%parallel_loop3A_137] {strides = array<i32>} : memref<65536xf32, #tpu.memory_space<vmem>>, vector<16xf32>,
      tpu.vector_store %arg7[%parallel_loop3A_137], %parallel_loop3A_132 {strides = array<i32>} : memref<65536xf32, #tpu.memory_space<vmem>>, vector<16xf32>,
      %parallel_loop3A_139 = arith.constant 7 : i32
      %parallel_loop3A_140 = vector.broadcast %parallel_loop3A_139 : i32 to vector<16xi32>
      %parallel_loop3A_141 = arith.addi %parallel_loop3A_23, %parallel_loop3A_140 : vector<16xi32>
      %parallel_loop3A_142 = tpu.vector_load_idx %arg6[%parallel_loop3A_141] : memref<16384xf32, #tpu.memory_space<vmem>>[vector<16xi32>], vector<16xf32>,
      %parallel_loop3A_143 = arith.constant 0 : i32
      %parallel_loop3A_144 = arith.addi %parallel_loop3A_68, %parallel_loop3A_143 : i32
      %parallel_loop3A_145 = arith.constant 896 : i32
      %parallel_loop3A_146 = arith.addi %parallel_loop3A_144, %parallel_loop3A_145 : i32
      %parallel_loop3A_147 = arith.index_cast %parallel_loop3A_146 : i32 to index
      %parallel_loop3A_148 = tpu.vector_load %arg7[%parallel_loop3A_147] {strides = array<i32>} : memref<65536xf32, #tpu.memory_space<vmem>>, vector<16xf32>,
      tpu.vector_store %arg7[%parallel_loop3A_147], %parallel_loop3A_142 {strides = array<i32>} : memref<65536xf32, #tpu.memory_space<vmem>>, vector<16xf32>,
      %parallel_loop3A_149 = arith.constant 8 : i32
      %parallel_loop3A_150 = vector.broadcast %parallel_loop3A_149 : i32 to vector<16xi32>
      %parallel_loop3A_151 = arith.addi %parallel_loop3A_23, %parallel_loop3A_150 : vector<16xi32>
      %parallel_loop3A_152 = tpu.vector_load_idx %arg6[%parallel_loop3A_151] : memref<16384xf32, #tpu.memory_space<vmem>>[vector<16xi32>], vector<16xf32>,
      %parallel_loop3A_153 = arith.constant 16384 : i32
      %parallel_loop3A_154 = arith.addi %parallel_loop3A_68, %parallel_loop3A_153 : i32
      %parallel_loop3A_155 = arith.constant 0 : i32
      %parallel_loop3A_156 = arith.addi %parallel_loop3A_154, %parallel_loop3A_155 : i32
      %parallel_loop3A_157 = arith.index_cast %parallel_loop3A_156 : i32 to index
      %parallel_loop3A_158 = tpu.vector_load %arg7[%parallel_loop3A_157] {strides = array<i32>} : memref<65536xf32, #tpu.memory_space<vmem>>, vector<16xf32>,
      tpu.vector_store %arg7[%parallel_loop3A_157], %parallel_loop3A_152 {strides = array<i32>} : memref<65536xf32, #tpu.memory_space<vmem>>, vector<16xf32>,
      %parallel_loop3A_159 = arith.constant 9 : i32
      %parallel_loop3A_160 = vector.broadcast %parallel_loop3A_159 : i32 to vector<16xi32>
      %parallel_loop3A_161 = arith.addi %parallel_loop3A_23, %parallel_loop3A_160 : vector<16xi32>
      %parallel_loop3A_162 = tpu.vector_load_idx %arg6[%parallel_loop3A_161] : memref<16384xf32, #tpu.memory_space<vmem>>[vector<16xi32>], vector<16xf32>,
      %parallel_loop3A_163 = arith.constant 16384 : i32
      %parallel_loop3A_164 = arith.addi %parallel_loop3A_68, %parallel_loop3A_163 : i32
      %parallel_loop3A_165 = arith.constant 128 : i32
      %parallel_loop3A_166 = arith.addi %parallel_loop3A_164, %parallel_loop3A_165 : i32
      %parallel_loop3A_167 = arith.index_cast %parallel_loop3A_166 : i32 to index
      %parallel_loop3A_168 = tpu.vector_load %arg7[%parallel_loop3A_167] {strides = array<i32>} : memref<65536xf32, #tpu.memory_space<vmem>>, vector<16xf32>,
      tpu.vector_store %arg7[%parallel_loop3A_167], %parallel_loop3A_162 {strides = array<i32>} : memref<65536xf32, #tpu.memory_space<vmem>>, vector<16xf32>,
      %parallel_loop3A_169 = arith.constant 10 : i32
      %parallel_loop3A_170 = vector.broadcast %parallel_loop3A_169 : i32 to vector<16xi32>
      %parallel_loop3A_171 = arith.addi %parallel_loop3A_23, %parallel_loop3A_170 : vector<16xi32>
      %parallel_loop3A_172 = tpu.vector_load_idx %arg6[%parallel_loop3A_171] : memref<16384xf32, #tpu.memory_space<vmem>>[vector<16xi32>], vector<16xf32>,
      %parallel_loop3A_173 = arith.constant 16384 : i32
      %parallel_loop3A_174 = arith.addi %parallel_loop3A_68, %parallel_loop3A_173 : i32
      %parallel_loop3A_175 = arith.constant 256 : i32
      %parallel_loop3A_176 = arith.addi %parallel_loop3A_174, %parallel_loop3A_175 : i32
      %parallel_loop3A_177 = arith.index_cast %parallel_loop3A_176 : i32 to index
      %parallel_loop3A_178 = tpu.vector_load %arg7[%parallel_loop3A_177] {strides = array<i32>} : memref<65536xf32, #tpu.memory_space<vmem>>, vector<16xf32>,
      tpu.vector_store %arg7[%parallel_loop3A_177], %parallel_loop3A_172 {strides = array<i32>} : memref<65536xf32, #tpu.memory_space<vmem>>, vector<16xf32>,
      %parallel_loop3A_179 = arith.constant 11 : i32
      %parallel_loop3A_180 = vector.broadcast %parallel_loop3A_179 : i32 to vector<16xi32>
      %parallel_loop3A_181 = arith.addi %parallel_loop3A_23, %parallel_loop3A_180 : vector<16xi32>
      %parallel_loop3A_182 = tpu.vector_load_idx %arg6[%parallel_loop3A_181] : memref<16384xf32, #tpu.memory_space<vmem>>[vector<16xi32>], vector<16xf32>,
      %parallel_loop3A_183 = arith.constant 16384 : i32
      %parallel_loop3A_184 = arith.addi %parallel_loop3A_68, %parallel_loop3A_183 : i32
      %parallel_loop3A_185 = arith.constant 384 : i32
      %parallel_loop3A_186 = arith.addi %parallel_loop3A_184, %parallel_loop3A_185 : i32
      %parallel_loop3A_187 = arith.index_cast %parallel_loop3A_186 : i32 to index
      %parallel_loop3A_188 = tpu.vector_load %arg7[%parallel_loop3A_187] {strides = array<i32>} : memref<65536xf32, #tpu.memory_space<vmem>>, vector<16xf32>,
      tpu.vector_store %arg7[%parallel_loop3A_187], %parallel_loop3A_182 {strides = array<i32>} : memref<65536xf32, #tpu.memory_space<vmem>>, vector<16xf32>,
      %parallel_loop3A_189 = arith.constant 12 : i32
      %parallel_loop3A_190 = vector.broadcast %parallel_loop3A_189 : i32 to vector<16xi32>
      %parallel_loop3A_191 = arith.addi %parallel_loop3A_23, %parallel_loop3A_190 : vector<16xi32>
      %parallel_loop3A_192 = tpu.vector_load_idx %arg6[%parallel_loop3A_191] : memref<16384xf32, #tpu.memory_space<vmem>>[vector<16xi32>], vector<16xf32>,
      %parallel_loop3A_193 = arith.constant 16384 : i32
      %parallel_loop3A_194 = arith.addi %parallel_loop3A_68, %parallel_loop3A_193 : i32
      %parallel_loop3A_195 = arith.constant 512 : i32
      %parallel_loop3A_196 = arith.addi %parallel_loop3A_194, %parallel_loop3A_195 : i32
      %parallel_loop3A_197 = arith.index_cast %parallel_loop3A_196 : i32 to index
      %parallel_loop3A_198 = tpu.vector_load %arg7[%parallel_loop3A_197] {strides = array<i32>} : memref<65536xf32, #tpu.memory_space<vmem>>, vector<16xf32>,
      tpu.vector_store %arg7[%parallel_loop3A_197], %parallel_loop3A_192 {strides = array<i32>} : memref<65536xf32, #tpu.memory_space<vmem>>, vector<16xf32>,
      %parallel_loop3A_199 = arith.constant 13 : i32
      %parallel_loop3A_200 = vector.broadcast %parallel_loop3A_199 : i32 to vector<16xi32>
      %parallel_loop3A_201 = arith.addi %parallel_loop3A_23, %parallel_loop3A_200 : vector<16xi32>
      %parallel_loop3A_202 = tpu.vector_load_idx %arg6[%parallel_loop3A_201] : memref<16384xf32, #tpu.memory_space<vmem>>[vector<16xi32>], vector<16xf32>,
      %parallel_loop3A_203 = arith.constant 16384 : i32
      %parallel_loop3A_204 = arith.addi %parallel_loop3A_68, %parallel_loop3A_203 : i32
      %parallel_loop3A_205 = arith.constant 640 : i32
      %parallel_loop3A_206 = arith.addi %parallel_loop3A_204, %parallel_loop3A_205 : i32
      %parallel_loop3A_207 = arith.index_cast %parallel_loop3A_206 : i32 to index
      %parallel_loop3A_208 = tpu.vector_load %arg7[%parallel_loop3A_207] {strides = array<i32>} : memref<65536xf32, #tpu.memory_space<vmem>>, vector<16xf32>,
      tpu.vector_store %arg7[%parallel_loop3A_207], %parallel_loop3A_202 {strides = array<i32>} : memref<65536xf32, #tpu.memory_space<vmem>>, vector<16xf32>,
      %parallel_loop3A_209 = arith.constant 14 : i32
      %parallel_loop3A_210 = vector.broadcast %parallel_loop3A_209 : i32 to vector<16xi32>
      %parallel_loop3A_211 = arith.addi %parallel_loop3A_23, %parallel_loop3A_210 : vector<16xi32>
      %parallel_loop3A_212 = tpu.vector_load_idx %arg6[%parallel_loop3A_211] : memref<16384xf32, #tpu.memory_space<vmem>>[vector<16xi32>], vector<16xf32>,
      %parallel_loop3A_213 = arith.constant 16384 : i32
      %parallel_loop3A_214 = arith.addi %parallel_loop3A_68, %parallel_loop3A_213 : i32
      %parallel_loop3A_215 = arith.constant 768 : i32
      %parallel_loop3A_216 = arith.addi %parallel_loop3A_214, %parallel_loop3A_215 : i32
      %parallel_loop3A_217 = arith.index_cast %parallel_loop3A_216 : i32 to index
      %parallel_loop3A_218 = tpu.vector_load %arg7[%parallel_loop3A_217] {strides = array<i32>} : memref<65536xf32, #tpu.memory_space<vmem>>, vector<16xf32>,
      tpu.vector_store %arg7[%parallel_loop3A_217], %parallel_loop3A_212 {strides = array<i32>} : memref<65536xf32, #tpu.memory_space<vmem>>, vector<16xf32>,
      %parallel_loop3A_219 = arith.constant 15 : i32
      %parallel_loop3A_220 = vector.broadcast %parallel_loop3A_219 : i32 to vector<16xi32>
      %parallel_loop3A_221 = arith.addi %parallel_loop3A_23, %parallel_loop3A_220 : vector<16xi32>
      %parallel_loop3A_222 = tpu.vector_load_idx %arg6[%parallel_loop3A_221] : memref<16384xf32, #tpu.memory_space<vmem>>[vector<16xi32>], vector<16xf32>,
      %parallel_loop3A_223 = arith.constant 16384 : i32
      %parallel_loop3A_224 = arith.addi %parallel_loop3A_68, %parallel_loop3A_223 : i32
      %parallel_loop3A_225 = arith.constant 896 : i32
      %parallel_loop3A_226 = arith.addi %parallel_loop3A_224, %parallel_loop3A_225 : i32
      %parallel_loop3A_227 = arith.index_cast %parallel_loop3A_226 : i32 to index
      %parallel_loop3A_228 = tpu.vector_load %arg7[%parallel_loop3A_227] {strides = array<i32>} : memref<65536xf32, #tpu.memory_space<vmem>>, vector<16xf32>,
      tpu.vector_store %arg7[%parallel_loop3A_227], %parallel_loop3A_222 {strides = array<i32>} : memref<65536xf32, #tpu.memory_space<vmem>>, vector<16xf32>,
      %parallel_loop3A_229 = arith.constant 16 : i32
      %parallel_loop3A_230 = vector.broadcast %parallel_loop3A_229 : i32 to vector<16xi32>
      %parallel_loop3A_231 = arith.addi %parallel_loop3A_23, %parallel_loop3A_230 : vector<16xi32>
      %parallel_loop3A_232 = tpu.vector_load_idx %arg6[%parallel_loop3A_231] : memref<16384xf32, #tpu.memory_space<vmem>>[vector<16xi32>], vector<16xf32>,
      %parallel_loop3A_233 = arith.constant 32768 : i32
      %parallel_loop3A_234 = arith.addi %parallel_loop3A_68, %parallel_loop3A_233 : i32
      %parallel_loop3A_235 = arith.constant 0 : i32
      %parallel_loop3A_236 = arith.addi %parallel_loop3A_234, %parallel_loop3A_235 : i32
      %parallel_loop3A_237 = arith.index_cast %parallel_loop3A_236 : i32 to index
      %parallel_loop3A_238 = tpu.vector_load %arg7[%parallel_loop3A_237] {strides = array<i32>} : memref<65536xf32, #tpu.memory_space<vmem>>, vector<16xf32>,
      tpu.vector_store %arg7[%parallel_loop3A_237], %parallel_loop3A_232 {strides = array<i32>} : memref<65536xf32, #tpu.memory_space<vmem>>, vector<16xf32>,
      %parallel_loop3A_239 = arith.constant 17 : i32
      %parallel_loop3A_240 = vector.broadcast %parallel_loop3A_239 : i32 to vector<16xi32>
      %parallel_loop3A_241 = arith.addi %parallel_loop3A_23, %parallel_loop3A_240 : vector<16xi32>
      %parallel_loop3A_242 = tpu.vector_load_idx %arg6[%parallel_loop3A_241] : memref<16384xf32, #tpu.memory_space<vmem>>[vector<16xi32>], vector<16xf32>,
      %parallel_loop3A_243 = arith.constant 32768 : i32
      %parallel_loop3A_244 = arith.addi %parallel_loop3A_68, %parallel_loop3A_243 : i32
      %parallel_loop3A_245 = arith.constant 128 : i32
      %parallel_loop3A_246 = arith.addi %parallel_loop3A_244, %parallel_loop3A_245 : i32
      %parallel_loop3A_247 = arith.index_cast %parallel_loop3A_246 : i32 to index
      %parallel_loop3A_248 = tpu.vector_load %arg7[%parallel_loop3A_247] {strides = array<i32>} : memref<65536xf32, #tpu.memory_space<vmem>>, vector<16xf32>,
      tpu.vector_store %arg7[%parallel_loop3A_247], %parallel_loop3A_242 {strides = array<i32>} : memref<65536xf32, #tpu.memory_space<vmem>>, vector<16xf32>,
      %parallel_loop3A_249 = arith.constant 18 : i32
      %parallel_loop3A_250 = vector.broadcast %parallel_loop3A_249 : i32 to vector<16xi32>
      %parallel_loop3A_251 = arith.addi %parallel_loop3A_23, %parallel_loop3A_250 : vector<16xi32>
      %parallel_loop3A_252 = tpu.vector_load_idx %arg6[%parallel_loop3A_251] : memref<16384xf32, #tpu.memory_space<vmem>>[vector<16xi32>], vector<16xf32>,
      %parallel_loop3A_253 = arith.constant 32768 : i32
      %parallel_loop3A_254 = arith.addi %parallel_loop3A_68, %parallel_loop3A_253 : i32
      %parallel_loop3A_255 = arith.constant 256 : i32
      %parallel_loop3A_256 = arith.addi %parallel_loop3A_254, %parallel_loop3A_255 : i32
      %parallel_loop3A_257 = arith.index_cast %parallel_loop3A_256 : i32 to index
      %parallel_loop3A_258 = tpu.vector_load %arg7[%parallel_loop3A_257] {strides = array<i32>} : memref<65536xf32, #tpu.memory_space<vmem>>, vector<16xf32>,
      tpu.vector_store %arg7[%parallel_loop3A_257], %parallel_loop3A_252 {strides = array<i32>} : memref<65536xf32, #tpu.memory_space<vmem>>, vector<16xf32>,
      %parallel_loop3A_259 = arith.constant 19 : i32
      %parallel_loop3A_260 = vector.broadcast %parallel_loop3A_259 : i32 to vector<16xi32>
      %parallel_loop3A_261 = arith.addi %parallel_loop3A_23, %parallel_loop3A_260 : vector<16xi32>
      %parallel_loop3A_262 = tpu.vector_load_idx %arg6[%parallel_loop3A_261] : memref<16384xf32, #tpu.memory_space<vmem>>[vector<16xi32>], vector<16xf32>,
      %parallel_loop3A_263 = arith.constant 32768 : i32
      %parallel_loop3A_264 = arith.addi %parallel_loop3A_68, %parallel_loop3A_263 : i32
      %parallel_loop3A_265 = arith.constant 384 : i32
      %parallel_loop3A_266 = arith.addi %parallel_loop3A_264, %parallel_loop3A_265 : i32
      %parallel_loop3A_267 = arith.index_cast %parallel_loop3A_266 : i32 to index
      %parallel_loop3A_268 = tpu.vector_load %arg7[%parallel_loop3A_267] {strides = array<i32>} : memref<65536xf32, #tpu.memory_space<vmem>>, vector<16xf32>,
      tpu.vector_store %arg7[%parallel_loop3A_267], %parallel_loop3A_262 {strides = array<i32>} : memref<65536xf32, #tpu.memory_space<vmem>>, vector<16xf32>,
      %parallel_loop3A_269 = arith.constant 20 : i32
      %parallel_loop3A_270 = vector.broadcast %parallel_loop3A_269 : i32 to vector<16xi32>
      %parallel_loop3A_271 = arith.addi %parallel_loop3A_23, %parallel_loop3A_270 : vector<16xi32>
      %parallel_loop3A_272 = tpu.vector_load_idx %arg6[%parallel_loop3A_271] : memref<16384xf32, #tpu.memory_space<vmem>>[vector<16xi32>], vector<16xf32>,
      %parallel_loop3A_273 = arith.constant 32768 : i32
      %parallel_loop3A_274 = arith.addi %parallel_loop3A_68, %parallel_loop3A_273 : i32
      %parallel_loop3A_275 = arith.constant 512 : i32
      %parallel_loop3A_276 = arith.addi %parallel_loop3A_274, %parallel_loop3A_275 : i32
      %parallel_loop3A_277 = arith.index_cast %parallel_loop3A_276 : i32 to index
      %parallel_loop3A_278 = tpu.vector_load %arg7[%parallel_loop3A_277] {strides = array<i32>} : memref<65536xf32, #tpu.memory_space<vmem>>, vector<16xf32>,
      tpu.vector_store %arg7[%parallel_loop3A_277], %parallel_loop3A_272 {strides = array<i32>} : memref<65536xf32, #tpu.memory_space<vmem>>, vector<16xf32>,
      %parallel_loop3A_279 = arith.constant 21 : i32
      %parallel_loop3A_280 = vector.broadcast %parallel_loop3A_279 : i32 to vector<16xi32>
      %parallel_loop3A_281 = arith.addi %parallel_loop3A_23, %parallel_loop3A_280 : vector<16xi32>
      %parallel_loop3A_282 = tpu.vector_load_idx %arg6[%parallel_loop3A_281] : memref<16384xf32, #tpu.memory_space<vmem>>[vector<16xi32>], vector<16xf32>,
      %parallel_loop3A_283 = arith.constant 32768 : i32
      %parallel_loop3A_284 = arith.addi %parallel_loop3A_68, %parallel_loop3A_283 : i32
      %parallel_loop3A_285 = arith.constant 640 : i32
      %parallel_loop3A_286 = arith.addi %parallel_loop3A_284, %parallel_loop3A_285 : i32
      %parallel_loop3A_287 = arith.index_cast %parallel_loop3A_286 : i32 to index
      %parallel_loop3A_288 = tpu.vector_load %arg7[%parallel_loop3A_287] {strides = array<i32>} : memref<65536xf32, #tpu.memory_space<vmem>>, vector<16xf32>,
      tpu.vector_store %arg7[%parallel_loop3A_287], %parallel_loop3A_282 {strides = array<i32>} : memref<65536xf32, #tpu.memory_space<vmem>>, vector<16xf32>,
      %parallel_loop3A_289 = arith.constant 22 : i32
      %parallel_loop3A_290 = vector.broadcast %parallel_loop3A_289 : i32 to vector<16xi32>
      %parallel_loop3A_291 = arith.addi %parallel_loop3A_23, %parallel_loop3A_290 : vector<16xi32>
      %parallel_loop3A_292 = tpu.vector_load_idx %arg6[%parallel_loop3A_291] : memref<16384xf32, #tpu.memory_space<vmem>>[vector<16xi32>], vector<16xf32>,
      %parallel_loop3A_293 = arith.constant 32768 : i32
      %parallel_loop3A_294 = arith.addi %parallel_loop3A_68, %parallel_loop3A_293 : i32
      %parallel_loop3A_295 = arith.constant 768 : i32
      %parallel_loop3A_296 = arith.addi %parallel_loop3A_294, %parallel_loop3A_295 : i32
      %parallel_loop3A_297 = arith.index_cast %parallel_loop3A_296 : i32 to index
      %parallel_loop3A_298 = tpu.vector_load %arg7[%parallel_loop3A_297] {strides = array<i32>} : memref<65536xf32, #tpu.memory_space<vmem>>, vector<16xf32>,
      tpu.vector_store %arg7[%parallel_loop3A_297], %parallel_loop3A_292 {strides = array<i32>} : memref<65536xf32, #tpu.memory_space<vmem>>, vector<16xf32>,
      %parallel_loop3A_299 = arith.constant 23 : i32
      %parallel_loop3A_300 = vector.broadcast %parallel_loop3A_299 : i32 to vector<16xi32>
      %parallel_loop3A_301 = arith.addi %parallel_loop3A_23, %parallel_loop3A_300 : vector<16xi32>
      %parallel_loop3A_302 = tpu.vector_load_idx %arg6[%parallel_loop3A_301] : memref<16384xf32, #tpu.memory_space<vmem>>[vector<16xi32>], vector<16xf32>,
      %parallel_loop3A_303 = arith.constant 32768 : i32
      %parallel_loop3A_304 = arith.addi %parallel_loop3A_68, %parallel_loop3A_303 : i32
      %parallel_loop3A_305 = arith.constant 896 : i32
      %parallel_loop3A_306 = arith.addi %parallel_loop3A_304, %parallel_loop3A_305 : i32
      %parallel_loop3A_307 = arith.index_cast %parallel_loop3A_306 : i32 to index
      %parallel_loop3A_308 = tpu.vector_load %arg7[%parallel_loop3A_307] {strides = array<i32>} : memref<65536xf32, #tpu.memory_space<vmem>>, vector<16xf32>,
      tpu.vector_store %arg7[%parallel_loop3A_307], %parallel_loop3A_302 {strides = array<i32>} : memref<65536xf32, #tpu.memory_space<vmem>>, vector<16xf32>,
      %parallel_loop3A_309 = arith.constant 24 : i32
      %parallel_loop3A_310 = vector.broadcast %parallel_loop3A_309 : i32 to vector<16xi32>
      %parallel_loop3A_311 = arith.addi %parallel_loop3A_23, %parallel_loop3A_310 : vector<16xi32>
      %parallel_loop3A_312 = tpu.vector_load_idx %arg6[%parallel_loop3A_311] : memref<16384xf32, #tpu.memory_space<vmem>>[vector<16xi32>], vector<16xf32>,
      %parallel_loop3A_313 = arith.constant 49152 : i32
      %parallel_loop3A_314 = arith.addi %parallel_loop3A_68, %parallel_loop3A_313 : i32
      %parallel_loop3A_315 = arith.constant 0 : i32
      %parallel_loop3A_316 = arith.addi %parallel_loop3A_314, %parallel_loop3A_315 : i32
      %parallel_loop3A_317 = arith.index_cast %parallel_loop3A_316 : i32 to index
      %parallel_loop3A_318 = tpu.vector_load %arg7[%parallel_loop3A_317] {strides = array<i32>} : memref<65536xf32, #tpu.memory_space<vmem>>, vector<16xf32>,
      tpu.vector_store %arg7[%parallel_loop3A_317], %parallel_loop3A_312 {strides = array<i32>} : memref<65536xf32, #tpu.memory_space<vmem>>, vector<16xf32>,
      %parallel_loop3A_319 = arith.constant 25 : i32
      %parallel_loop3A_320 = vector.broadcast %parallel_loop3A_319 : i32 to vector<16xi32>
      %parallel_loop3A_321 = arith.addi %parallel_loop3A_23, %parallel_loop3A_320 : vector<16xi32>
      %parallel_loop3A_322 = tpu.vector_load_idx %arg6[%parallel_loop3A_321] : memref<16384xf32, #tpu.memory_space<vmem>>[vector<16xi32>], vector<16xf32>,
      %parallel_loop3A_323 = arith.constant 49152 : i32
      %parallel_loop3A_324 = arith.addi %parallel_loop3A_68, %parallel_loop3A_323 : i32
      %parallel_loop3A_325 = arith.constant 128 : i32
      %parallel_loop3A_326 = arith.addi %parallel_loop3A_324, %parallel_loop3A_325 : i32
      %parallel_loop3A_327 = arith.index_cast %parallel_loop3A_326 : i32 to index
      %parallel_loop3A_328 = tpu.vector_load %arg7[%parallel_loop3A_327] {strides = array<i32>} : memref<65536xf32, #tpu.memory_space<vmem>>, vector<16xf32>,
      tpu.vector_store %arg7[%parallel_loop3A_327], %parallel_loop3A_322 {strides = array<i32>} : memref<65536xf32, #tpu.memory_space<vmem>>, vector<16xf32>,
      %parallel_loop3A_329 = arith.constant 26 : i32
      %parallel_loop3A_330 = vector.broadcast %parallel_loop3A_329 : i32 to vector<16xi32>
      %parallel_loop3A_331 = arith.addi %parallel_loop3A_23, %parallel_loop3A_330 : vector<16xi32>
      %parallel_loop3A_332 = tpu.vector_load_idx %arg6[%parallel_loop3A_331] : memref<16384xf32, #tpu.memory_space<vmem>>[vector<16xi32>], vector<16xf32>,
      %parallel_loop3A_333 = arith.constant 49152 : i32
      %parallel_loop3A_334 = arith.addi %parallel_loop3A_68, %parallel_loop3A_333 : i32
      %parallel_loop3A_335 = arith.constant 256 : i32
      %parallel_loop3A_336 = arith.addi %parallel_loop3A_334, %parallel_loop3A_335 : i32
      %parallel_loop3A_337 = arith.index_cast %parallel_loop3A_336 : i32 to index
      %parallel_loop3A_338 = tpu.vector_load %arg7[%parallel_loop3A_337] {strides = array<i32>} : memref<65536xf32, #tpu.memory_space<vmem>>, vector<16xf32>,
      tpu.vector_store %arg7[%parallel_loop3A_337], %parallel_loop3A_332 {strides = array<i32>} : memref<65536xf32, #tpu.memory_space<vmem>>, vector<16xf32>,
      %parallel_loop3A_339 = arith.constant 27 : i32
      %parallel_loop3A_340 = vector.broadcast %parallel_loop3A_339 : i32 to vector<16xi32>
      %parallel_loop3A_341 = arith.addi %parallel_loop3A_23, %parallel_loop3A_340 : vector<16xi32>
      %parallel_loop3A_342 = tpu.vector_load_idx %arg6[%parallel_loop3A_341] : memref<16384xf32, #tpu.memory_space<vmem>>[vector<16xi32>], vector<16xf32>,
      %parallel_loop3A_343 = arith.constant 49152 : i32
      %parallel_loop3A_344 = arith.addi %parallel_loop3A_68, %parallel_loop3A_343 : i32
      %parallel_loop3A_345 = arith.constant 384 : i32
      %parallel_loop3A_346 = arith.addi %parallel_loop3A_344, %parallel_loop3A_345 : i32
      %parallel_loop3A_347 = arith.index_cast %parallel_loop3A_346 : i32 to index
      %parallel_loop3A_348 = tpu.vector_load %arg7[%parallel_loop3A_347] {strides = array<i32>} : memref<65536xf32, #tpu.memory_space<vmem>>, vector<16xf32>,
      tpu.vector_store %arg7[%parallel_loop3A_347], %parallel_loop3A_342 {strides = array<i32>} : memref<65536xf32, #tpu.memory_space<vmem>>, vector<16xf32>,
      %parallel_loop3A_349 = arith.constant 28 : i32
      %parallel_loop3A_350 = vector.broadcast %parallel_loop3A_349 : i32 to vector<16xi32>
      %parallel_loop3A_351 = arith.addi %parallel_loop3A_23, %parallel_loop3A_350 : vector<16xi32>
      %parallel_loop3A_352 = tpu.vector_load_idx %arg6[%parallel_loop3A_351] : memref<16384xf32, #tpu.memory_space<vmem>>[vector<16xi32>], vector<16xf32>,
      %parallel_loop3A_353 = arith.constant 49152 : i32
      %parallel_loop3A_354 = arith.addi %parallel_loop3A_68, %parallel_loop3A_353 : i32
      %parallel_loop3A_355 = arith.constant 512 : i32
      %parallel_loop3A_356 = arith.addi %parallel_loop3A_354, %parallel_loop3A_355 : i32
      %parallel_loop3A_357 = arith.index_cast %parallel_loop3A_356 : i32 to index
      %parallel_loop3A_358 = tpu.vector_load %arg7[%parallel_loop3A_357] {strides = array<i32>} : memref<65536xf32, #tpu.memory_space<vmem>>, vector<16xf32>,
      tpu.vector_store %arg7[%parallel_loop3A_357], %parallel_loop3A_352 {strides = array<i32>} : memref<65536xf32, #tpu.memory_space<vmem>>, vector<16xf32>,
      %parallel_loop3A_359 = arith.constant 29 : i32
      %parallel_loop3A_360 = vector.broadcast %parallel_loop3A_359 : i32 to vector<16xi32>
      %parallel_loop3A_361 = arith.addi %parallel_loop3A_23, %parallel_loop3A_360 : vector<16xi32>
      %parallel_loop3A_362 = tpu.vector_load_idx %arg6[%parallel_loop3A_361] : memref<16384xf32, #tpu.memory_space<vmem>>[vector<16xi32>], vector<16xf32>,
      %parallel_loop3A_363 = arith.constant 49152 : i32
      %parallel_loop3A_364 = arith.addi %parallel_loop3A_68, %parallel_loop3A_363 : i32
      %parallel_loop3A_365 = arith.constant 640 : i32
      %parallel_loop3A_366 = arith.addi %parallel_loop3A_364, %parallel_loop3A_365 : i32
      %parallel_loop3A_367 = arith.index_cast %parallel_loop3A_366 : i32 to index
      %parallel_loop3A_368 = tpu.vector_load %arg7[%parallel_loop3A_367] {strides = array<i32>} : memref<65536xf32, #tpu.memory_space<vmem>>, vector<16xf32>,
      tpu.vector_store %arg7[%parallel_loop3A_367], %parallel_loop3A_362 {strides = array<i32>} : memref<65536xf32, #tpu.memory_space<vmem>>, vector<16xf32>,
      %parallel_loop3A_369 = arith.constant 30 : i32
      %parallel_loop3A_370 = vector.broadcast %parallel_loop3A_369 : i32 to vector<16xi32>
      %parallel_loop3A_371 = arith.addi %parallel_loop3A_23, %parallel_loop3A_370 : vector<16xi32>
      %parallel_loop3A_372 = tpu.vector_load_idx %arg6[%parallel_loop3A_371] : memref<16384xf32, #tpu.memory_space<vmem>>[vector<16xi32>], vector<16xf32>,
      %parallel_loop3A_373 = arith.constant 49152 : i32
      %parallel_loop3A_374 = arith.addi %parallel_loop3A_68, %parallel_loop3A_373 : i32
      %parallel_loop3A_375 = arith.constant 768 : i32
      %parallel_loop3A_376 = arith.addi %parallel_loop3A_374, %parallel_loop3A_375 : i32
      %parallel_loop3A_377 = arith.index_cast %parallel_loop3A_376 : i32 to index
      %parallel_loop3A_378 = tpu.vector_load %arg7[%parallel_loop3A_377] {strides = array<i32>} : memref<65536xf32, #tpu.memory_space<vmem>>, vector<16xf32>,
      tpu.vector_store %arg7[%parallel_loop3A_377], %parallel_loop3A_372 {strides = array<i32>} : memref<65536xf32, #tpu.memory_space<vmem>>, vector<16xf32>,
      %parallel_loop3A_379 = arith.constant 31 : i32
      %parallel_loop3A_380 = vector.broadcast %parallel_loop3A_379 : i32 to vector<16xi32>
      %parallel_loop3A_381 = arith.addi %parallel_loop3A_23, %parallel_loop3A_380 : vector<16xi32>
      %parallel_loop3A_382 = tpu.vector_load_idx %arg6[%parallel_loop3A_381] : memref<16384xf32, #tpu.memory_space<vmem>>[vector<16xi32>], vector<16xf32>,
      %parallel_loop3A_383 = arith.constant 49152 : i32
      %parallel_loop3A_384 = arith.addi %parallel_loop3A_68, %parallel_loop3A_383 : i32
      %parallel_loop3A_385 = arith.constant 896 : i32
      %parallel_loop3A_386 = arith.addi %parallel_loop3A_384, %parallel_loop3A_385 : i32
      %parallel_loop3A_387 = arith.index_cast %parallel_loop3A_386 : i32 to index
      %parallel_loop3A_388 = tpu.vector_load %arg7[%parallel_loop3A_387] {strides = array<i32>} : memref<65536xf32, #tpu.memory_space<vmem>>, vector<16xf32>,
      tpu.vector_store %arg7[%parallel_loop3A_387], %parallel_loop3A_382 {strides = array<i32>} : memref<65536xf32, #tpu.memory_space<vmem>>, vector<16xf32>,
    } {sc.loop_unroll_factor = 4 : i64, sc.parallel_access}
    %mul3A_5 = arith.constant 16384 : i32
    %mul3A_6 = arith.muli %add3A, %mul3A_5 : i32
    %run_scoped3A = arith.constant 0 : i32
    "tpu.region"() ({
      %run_scoped3A_16 = tpu.sem_alloc : memref<!tpu.dma_semaphore, #tpu.memory_space<semaphore_mem>>
      %dma_start3A = arith.constant 0 : i32
      %dma_start3A_17 = tpu.memref_slice %arg7[%dma_start3A] : memref<65536xf32, #tpu.memory_space<vmem>> -> memref<16384xf32, #tpu.memory_space<vmem>>
      %dma_start3A_18 = tpu.memref_slice %arg4[%run_scoped3A, %mul3A_6] : memref<4x524288xf32, #tpu.memory_space<hbm>> -> memref<1x16384xf32, #tpu.memory_space<hbm>>
      %dma_start3A_19 = tpu.memref_squeeze %dma_start3A_18 : memref<1x16384xf32, #tpu.memory_space<hbm>> -> memref<16384xf32, #tpu.memory_space<hbm>>
      %dma_start3A_20 = tpu.memref_slice %arg4[%run_scoped3A, %mul3A_6] : memref<4x524288xf32, #tpu.memory_space<hbm>> -> memref<1x16384xf32, #tpu.memory_space<hbm>>
      %dma_start3A_21 = tpu.memref_squeeze %dma_start3A_20 : memref<1x16384xf32, #tpu.memory_space<hbm>> -> memref<16384xf32, #tpu.memory_space<hbm>>
      %dma_start3A_22 = arith.constant 0 : i32
      %dma_start3A_23 = tpu.memref_slice %arg7[%dma_start3A_22] : memref<65536xf32, #tpu.memory_space<vmem>> -> memref<16384xf32, #tpu.memory_space<vmem>>
      tpu.enqueue_dma source(%dma_start3A_23 : memref<16384xf32, #tpu.memory_space<vmem>>) target(%dma_start3A_21 : memref<16384xf32, #tpu.memory_space<hbm>>) target_semaphore(%run_scoped3A_16 : memref<!tpu.dma_semaphore, #tpu.memory_space<semaphore_mem>>)
      %dma_wait3A = arith.constant 0 : i32
      %dma_wait3A_24 = tpu.memref_slice %arg7[%dma_wait3A] : memref<65536xf32, #tpu.memory_space<vmem>> -> memref<16384xf32, #tpu.memory_space<vmem>>
      %dma_wait3A_25 = tpu.memref_slice %arg4[%run_scoped3A, %mul3A_6] : memref<4x524288xf32, #tpu.memory_space<hbm>> -> memref<1x16384xf32, #tpu.memory_space<hbm>>
      %dma_wait3A_26 = tpu.memref_squeeze %dma_wait3A_25 : memref<1x16384xf32, #tpu.memory_space<hbm>> -> memref<16384xf32, #tpu.memory_space<hbm>>
      %dma_wait3A_27 = tpu.memref_slice %arg4[%run_scoped3A, %mul3A_6] : memref<4x524288xf32, #tpu.memory_space<hbm>> -> memref<1x16384xf32, #tpu.memory_space<hbm>>
      %dma_wait3A_28 = tpu.memref_squeeze %dma_wait3A_27 : memref<1x16384xf32, #tpu.memory_space<hbm>> -> memref<16384xf32, #tpu.memory_space<hbm>>
      %dma_wait3A_29 = arith.constant 0 : i32
      %dma_wait3A_30 = tpu.memref_slice %arg7[%dma_wait3A_29] : memref<65536xf32, #tpu.memory_space<vmem>> -> memref<16384xf32, #tpu.memory_space<vmem>>
      tpu.wait_dma2 semaphore(%run_scoped3A_16 : memref<!tpu.dma_semaphore, #tpu.memory_space<semaphore_mem>>) src(%dma_wait3A_30 : memref<16384xf32, #tpu.memory_space<vmem>>) dst(%dma_wait3A_28 : memref<16384xf32, #tpu.memory_space<hbm>>)
      tpu.yield
    }) : () -> ()
    %mul3A_7 = arith.constant 16384 : i32
    %mul3A_8 = arith.muli %add3A, %mul3A_7 : i32
    %run_scoped3A_9 = arith.constant 1 : i32
    "tpu.region"() ({
      %run_scoped3A_16 = tpu.sem_alloc : memref<!tpu.dma_semaphore, #tpu.memory_space<semaphore_mem>>
      %dma_start3A = arith.constant 16384 : i32
      %dma_start3A_17 = tpu.memref_slice %arg7[%dma_start3A] : memref<65536xf32, #tpu.memory_space<vmem>> -> memref<16384xf32, #tpu.memory_space<vmem>>
      %dma_start3A_18 = tpu.memref_slice %arg4[%run_scoped3A_9, %mul3A_8] : memref<4x524288xf32, #tpu.memory_space<hbm>> -> memref<1x16384xf32, #tpu.memory_space<hbm>>
      %dma_start3A_19 = tpu.memref_squeeze %dma_start3A_18 : memref<1x16384xf32, #tpu.memory_space<hbm>> -> memref<16384xf32, #tpu.memory_space<hbm>>
      %dma_start3A_20 = tpu.memref_slice %arg4[%run_scoped3A_9, %mul3A_8] : memref<4x524288xf32, #tpu.memory_space<hbm>> -> memref<1x16384xf32, #tpu.memory_space<hbm>>
      %dma_start3A_21 = tpu.memref_squeeze %dma_start3A_20 : memref<1x16384xf32, #tpu.memory_space<hbm>> -> memref<16384xf32, #tpu.memory_space<hbm>>
      %dma_start3A_22 = arith.constant 16384 : i32
      %dma_start3A_23 = tpu.memref_slice %arg7[%dma_start3A_22] : memref<65536xf32, #tpu.memory_space<vmem>> -> memref<16384xf32, #tpu.memory_space<vmem>>
      tpu.enqueue_dma source(%dma_start3A_23 : memref<16384xf32, #tpu.memory_space<vmem>>) target(%dma_start3A_21 : memref<16384xf32, #tpu.memory_space<hbm>>) target_semaphore(%run_scoped3A_16 : memref<!tpu.dma_semaphore, #tpu.memory_space<semaphore_mem>>)
      %dma_wait3A = arith.constant 16384 : i32
      %dma_wait3A_24 = tpu.memref_slice %arg7[%dma_wait3A] : memref<65536xf32, #tpu.memory_space<vmem>> -> memref<16384xf32, #tpu.memory_space<vmem>>
      %dma_wait3A_25 = tpu.memref_slice %arg4[%run_scoped3A_9, %mul3A_8] : memref<4x524288xf32, #tpu.memory_space<hbm>> -> memref<1x16384xf32, #tpu.memory_space<hbm>>
      %dma_wait3A_26 = tpu.memref_squeeze %dma_wait3A_25 : memref<1x16384xf32, #tpu.memory_space<hbm>> -> memref<16384xf32, #tpu.memory_space<hbm>>
      %dma_wait3A_27 = tpu.memref_slice %arg4[%run_scoped3A_9, %mul3A_8] : memref<4x524288xf32, #tpu.memory_space<hbm>> -> memref<1x16384xf32, #tpu.memory_space<hbm>>
      %dma_wait3A_28 = tpu.memref_squeeze %dma_wait3A_27 : memref<1x16384xf32, #tpu.memory_space<hbm>> -> memref<16384xf32, #tpu.memory_space<hbm>>
      %dma_wait3A_29 = arith.constant 16384 : i32
      %dma_wait3A_30 = tpu.memref_slice %arg7[%dma_wait3A_29] : memref<65536xf32, #tpu.memory_space<vmem>> -> memref<16384xf32, #tpu.memory_space<vmem>>
      tpu.wait_dma2 semaphore(%run_scoped3A_16 : memref<!tpu.dma_semaphore, #tpu.memory_space<semaphore_mem>>) src(%dma_wait3A_30 : memref<16384xf32, #tpu.memory_space<vmem>>) dst(%dma_wait3A_28 : memref<16384xf32, #tpu.memory_space<hbm>>)
      tpu.yield
    }) : () -> ()
    %mul3A_10 = arith.constant 16384 : i32
    %mul3A_11 = arith.muli %add3A, %mul3A_10 : i32
    %run_scoped3A_12 = arith.constant 2 : i32
    "tpu.region"() ({
      %run_scoped3A_16 = tpu.sem_alloc : memref<!tpu.dma_semaphore, #tpu.memory_space<semaphore_mem>>
      %dma_start3A = arith.constant 32768 : i32
      %dma_start3A_17 = tpu.memref_slice %arg7[%dma_start3A] : memref<65536xf32, #tpu.memory_space<vmem>> -> memref<16384xf32, #tpu.memory_space<vmem>>
      %dma_start3A_18 = tpu.memref_slice %arg4[%run_scoped3A_12, %mul3A_11] : memref<4x524288xf32, #tpu.memory_space<hbm>> -> memref<1x16384xf32, #tpu.memory_space<hbm>>
      %dma_start3A_19 = tpu.memref_squeeze %dma_start3A_18 : memref<1x16384xf32, #tpu.memory_space<hbm>> -> memref<16384xf32, #tpu.memory_space<hbm>>
      %dma_start3A_20 = tpu.memref_slice %arg4[%run_scoped3A_12, %mul3A_11] : memref<4x524288xf32, #tpu.memory_space<hbm>> -> memref<1x16384xf32, #tpu.memory_space<hbm>>
      %dma_start3A_21 = tpu.memref_squeeze %dma_start3A_20 : memref<1x16384xf32, #tpu.memory_space<hbm>> -> memref<16384xf32, #tpu.memory_space<hbm>>
      %dma_start3A_22 = arith.constant 32768 : i32
      %dma_start3A_23 = tpu.memref_slice %arg7[%dma_start3A_22] : memref<65536xf32, #tpu.memory_space<vmem>> -> memref<16384xf32, #tpu.memory_space<vmem>>
      tpu.enqueue_dma source(%dma_start3A_23 : memref<16384xf32, #tpu.memory_space<vmem>>) target(%dma_start3A_21 : memref<16384xf32, #tpu.memory_space<hbm>>) target_semaphore(%run_scoped3A_16 : memref<!tpu.dma_semaphore, #tpu.memory_space<semaphore_mem>>)
      %dma_wait3A = arith.constant 32768 : i32
      %dma_wait3A_24 = tpu.memref_slice %arg7[%dma_wait3A] : memref<65536xf32, #tpu.memory_space<vmem>> -> memref<16384xf32, #tpu.memory_space<vmem>>
      %dma_wait3A_25 = tpu.memref_slice %arg4[%run_scoped3A_12, %mul3A_11] : memref<4x524288xf32, #tpu.memory_space<hbm>> -> memref<1x16384xf32, #tpu.memory_space<hbm>>
      %dma_wait3A_26 = tpu.memref_squeeze %dma_wait3A_25 : memref<1x16384xf32, #tpu.memory_space<hbm>> -> memref<16384xf32, #tpu.memory_space<hbm>>
      %dma_wait3A_27 = tpu.memref_slice %arg4[%run_scoped3A_12, %mul3A_11] : memref<4x524288xf32, #tpu.memory_space<hbm>> -> memref<1x16384xf32, #tpu.memory_space<hbm>>
      %dma_wait3A_28 = tpu.memref_squeeze %dma_wait3A_27 : memref<1x16384xf32, #tpu.memory_space<hbm>> -> memref<16384xf32, #tpu.memory_space<hbm>>
      %dma_wait3A_29 = arith.constant 32768 : i32
      %dma_wait3A_30 = tpu.memref_slice %arg7[%dma_wait3A_29] : memref<65536xf32, #tpu.memory_space<vmem>> -> memref<16384xf32, #tpu.memory_space<vmem>>
      tpu.wait_dma2 semaphore(%run_scoped3A_16 : memref<!tpu.dma_semaphore, #tpu.memory_space<semaphore_mem>>) src(%dma_wait3A_30 : memref<16384xf32, #tpu.memory_space<vmem>>) dst(%dma_wait3A_28 : memref<16384xf32, #tpu.memory_space<hbm>>)
      tpu.yield
    }) : () -> ()
    %mul3A_13 = arith.constant 16384 : i32
    %mul3A_14 = arith.muli %add3A, %mul3A_13 : i32
    %run_scoped3A_15 = arith.constant 3 : i32
    "tpu.region"() ({
      %run_scoped3A_16 = tpu.sem_alloc : memref<!tpu.dma_semaphore, #tpu.memory_space<semaphore_mem>>
      %dma_start3A = arith.constant 49152 : i32
      %dma_start3A_17 = tpu.memref_slice %arg7[%dma_start3A] : memref<65536xf32, #tpu.memory_space<vmem>> -> memref<16384xf32, #tpu.memory_space<vmem>>
      %dma_start3A_18 = tpu.memref_slice %arg4[%run_scoped3A_15, %mul3A_14] : memref<4x524288xf32, #tpu.memory_space<hbm>> -> memref<1x16384xf32, #tpu.memory_space<hbm>>
      %dma_start3A_19 = tpu.memref_squeeze %dma_start3A_18 : memref<1x16384xf32, #tpu.memory_space<hbm>> -> memref<16384xf32, #tpu.memory_space<hbm>>
      %dma_start3A_20 = tpu.memref_slice %arg4[%run_scoped3A_15, %mul3A_14] : memref<4x524288xf32, #tpu.memory_space<hbm>> -> memref<1x16384xf32, #tpu.memory_space<hbm>>
      %dma_start3A_21 = tpu.memref_squeeze %dma_start3A_20 : memref<1x16384xf32, #tpu.memory_space<hbm>> -> memref<16384xf32, #tpu.memory_space<hbm>>
      %dma_start3A_22 = arith.constant 49152 : i32
      %dma_start3A_23 = tpu.memref_slice %arg7[%dma_start3A_22] : memref<65536xf32, #tpu.memory_space<vmem>> -> memref<16384xf32, #tpu.memory_space<vmem>>
      tpu.enqueue_dma source(%dma_start3A_23 : memref<16384xf32, #tpu.memory_space<vmem>>) target(%dma_start3A_21 : memref<16384xf32, #tpu.memory_space<hbm>>) target_semaphore(%run_scoped3A_16 : memref<!tpu.dma_semaphore, #tpu.memory_space<semaphore_mem>>)
      %dma_wait3A = arith.constant 49152 : i32
      %dma_wait3A_24 = tpu.memref_slice %arg7[%dma_wait3A] : memref<65536xf32, #tpu.memory_space<vmem>> -> memref<16384xf32, #tpu.memory_space<vmem>>
      %dma_wait3A_25 = tpu.memref_slice %arg4[%run_scoped3A_15, %mul3A_14] : memref<4x524288xf32, #tpu.memory_space<hbm>> -> memref<1x16384xf32, #tpu.memory_space<hbm>>
      %dma_wait3A_26 = tpu.memref_squeeze %dma_wait3A_25 : memref<1x16384xf32, #tpu.memory_space<hbm>> -> memref<16384xf32, #tpu.memory_space<hbm>>
      %dma_wait3A_27 = tpu.memref_slice %arg4[%run_scoped3A_15, %mul3A_14] : memref<4x524288xf32, #tpu.memory_space<hbm>> -> memref<1x16384xf32, #tpu.memory_space<hbm>>
      %dma_wait3A_28 = tpu.memref_squeeze %dma_wait3A_27 : memref<1x16384xf32, #tpu.memory_space<hbm>> -> memref<16384xf32, #tpu.memory_space<hbm>>
      %dma_wait3A_29 = arith.constant 49152 : i32
      %dma_wait3A_30 = tpu.memref_slice %arg7[%dma_wait3A_29] : memref<65536xf32, #tpu.memory_space<vmem>> -> memref<16384xf32, #tpu.memory_space<vmem>>
      tpu.wait_dma2 semaphore(%run_scoped3A_16 : memref<!tpu.dma_semaphore, #tpu.memory_space<semaphore_mem>>) src(%dma_wait3A_30 : memref<16384xf32, #tpu.memory_space<vmem>>) dst(%dma_wait3A_28 : memref<16384xf32, #tpu.memory_space<hbm>>)
      tpu.yield
    }) : () -> ()
    return
  }
}

module attributes {stable_mosaic.version = 14 : i64} {
  func.func @_argmin_kernel(%arg0: i32, %arg1: memref<32x4096xf32, #tpu.memory_space<vmem>>, %arg2: memref<512x32xf32, #tpu.memory_space<vmem>>, %arg3: memref<4096xi32, #tpu.memory_space<vmem>>, %arg4: memref<1x1xf32, #tpu.memory_space<vmem>>) attributes {dimension_semantics = [#tpu.dimension_semantics<arbitrary>], iteration_bounds = array<i64: 16>, scalar_prefetch = 0 : i64, scratch_operands = 0 : i64, tpu.core_type = #tpu.core_type<tc>, window_params = [{transform_indices = @transform_0, window_bounds = array<i64: 32, 4096>}, {pipeline_mode = #tpu.pipeline_mode<synchronous>, transform_indices = @transform_1, window_bounds = array<i64: 512, 32>}, {transform_indices = @transform_2, window_bounds = array<i64: 4096>}, {pipeline_mode = #tpu.pipeline_mode<synchronous>, transform_indices = @transform_3, window_bounds = array<i64: 1, 1>}]} {
    %get3A = arith.constant 0 : index
    %get3A_0 = arith.constant 0 : index
    %get3A_1 = vector.load %arg1[%get3A, %get3A_0] : memref<32x4096xf32, #tpu.memory_space<vmem>>, vector<32x4096xf32>
    %get3A_2 = arith.constant 0 : index
    %get3A_3 = arith.constant 0 : index
    %get3A_4 = vector.load %arg2[%get3A_2, %get3A_3] : memref<512x32xf32, #tpu.memory_space<vmem>>, vector<512x32xf32>
    %mul3A = arith.mulf %get3A_1, %get3A_1 : vector<32x4096xf32>
    %reduce_sum3A = arith.constant dense<0.000000e+00> : vector<4096xf32>
    %reduce_sum3A_5 = vector.multi_reduction <add>, %mul3A, %reduce_sum3A [0] : vector<32x4096xf32> to vector<4096xf32>
    %broadcast_in_dim3A = vector.shape_cast %reduce_sum3A_5 : vector<4096xf32> to vector<1x4096xf32>
    %mul3A_6 = arith.mulf %get3A_4, %get3A_4 : vector<512x32xf32>
    %reduce_sum3A_7 = arith.constant dense<0.000000e+00> : vector<512xf32>
    %reduce_sum3A_8 = vector.multi_reduction <add>, %mul3A_6, %reduce_sum3A_7 [1] : vector<512x32xf32> to vector<512xf32>
    %broadcast_in_dim3A_9 = vector.shape_cast %reduce_sum3A_8 : vector<512xf32> to vector<512x1xf32>
    %mul3A_10 = arith.constant -2.000000e+00 : f32
    %mul3A_11 = vector.broadcast %mul3A_10 : f32 to vector<512x32xf32>
    %mul3A_12 = arith.mulf %mul3A_11, %get3A_4 : vector<512x32xf32>
    %dot_general3A = arith.constant dense<0.000000e+00> : vector<512x4096xf32>
    %dot_general3A_13 = tpu.matmul %mul3A_12, %get3A_1, %dot_general3A {dimension_numbers = #tpu.dot_dimension_numbers<[1], [0], [0], [1], [0, 0, 1, 1], [], []>, transpose_lhs_hint = false} : vector<512x32xf32>, vector<32x4096xf32>, vector<512x4096xf32> -> vector<512x4096xf32>
    %add3A = vector.broadcast %broadcast_in_dim3A : vector<1x4096xf32> to vector<512x4096xf32>
    %add3A_14 = arith.addf %add3A, %dot_general3A_13 : vector<512x4096xf32>
    %add3A_15 = vector.broadcast %broadcast_in_dim3A_9 : vector<512x1xf32> to vector<512x4096xf32>
    %add3A_16 = arith.addf %add3A_14, %add3A_15 : vector<512x4096xf32>
    %reduce_min3A = arith.constant dense<0x7F800000> : vector<4096xf32>
    %reduce_min3A_17 = vector.multi_reduction <minimumf>, %add3A_16, %reduce_min3A [0] : vector<512x4096xf32> to vector<4096xf32>
    %broadcast_in_dim3A_18 = vector.shape_cast %reduce_min3A_17 : vector<4096xf32> to vector<1x4096xf32>
    %iota3A = tpu.iota {dimensions = array<i32: 0>} : vector<512x4096xi32>
    %eq3A = vector.broadcast %broadcast_in_dim3A_18 : vector<1x4096xf32> to vector<512x4096xf32>
    %eq3A_19 = arith.cmpf oeq, %add3A_16, %eq3A : vector<512x4096xf32>
    %jit3A = arith.constant 512 : i32
    %broadcast_in_dim3A_20 = vector.broadcast %jit3A : i32 to vector<512x4096xi32>
    %select_n3A = arith.select %eq3A_19, %iota3A, %broadcast_in_dim3A_20 : vector<512x4096xi1>, vector<512x4096xi32>
    %reduce_min3A_21 = arith.constant dense<2147483647> : vector<4096xi32>
    %reduce_min3A_22 = vector.multi_reduction <minsi>, %select_n3A, %reduce_min3A_21 [0] : vector<512x4096xi32> to vector<4096xi32>
    %broadcast_in_dim3A_23 = vector.shape_cast %reduce_min3A_22 : vector<4096xi32> to vector<1x4096xi32>
    %reshape3A = vector.shape_cast %broadcast_in_dim3A_23 : vector<1x4096xi32> to vector<4096xi32>
    %swap3A = arith.constant 0 : index
    %swap3A_24 = vector.load %arg3[%swap3A] : memref<4096xi32, #tpu.memory_space<vmem>>, vector<4096xi32>
    tpu.vector_store %arg3[%swap3A], %reshape3A {strides = array<i32>} : memref<4096xi32, #tpu.memory_space<vmem>>, vector<4096xi32>,
    %reduce_sum3A_25 = vector.shape_cast %broadcast_in_dim3A_18 : vector<1x4096xf32> to vector<1x1x4096xf32>
    %reduce_sum3A_26 = arith.constant dense<0.000000e+00> : vector<1xf32>
    %reduce_sum3A_27 = vector.multi_reduction <add>, %reduce_sum3A_25, %reduce_sum3A_26 [1, 2] : vector<1x1x4096xf32> to vector<1xf32>
    %reduce_sum3A_28 = vector.shape_cast %reduce_sum3A_27 : vector<1xf32> to vector<1x1x1xf32>
    %reduce_sum3A_29 = vector.extract %reduce_sum3A_28[0, 0, 0] : f32 from vector<1x1x1xf32>
    %eq3A_30 = arith.constant 0 : i32
    %eq3A_31 = arith.cmpi eq, %arg0, %eq3A_30 : i32
    %broadcast_in_dim3A_32 = arith.constant 0.000000e+00 : f32
    %broadcast_in_dim3A_33 = vector.broadcast %broadcast_in_dim3A_32 : f32 to vector<1x1xf32>
    %get3A_34 = arith.constant 0 : index
    %get3A_35 = arith.constant 0 : index
    %get3A_36 = vector.load %arg4[%get3A_34, %get3A_35] : memref<1x1xf32, #tpu.memory_space<vmem>>, vector<1x1xf32>
    %select_n3A_37 = arith.select %eq3A_31, %broadcast_in_dim3A_33, %get3A_36 : vector<1x1xf32>
    %add3A_38 = vector.broadcast %reduce_sum3A_29 : f32 to vector<1x1xf32>
    %add3A_39 = arith.addf %select_n3A_37, %add3A_38 : vector<1x1xf32>
    %swap3A_40 = arith.constant 0 : index
    %swap3A_41 = arith.constant 0 : index
    %swap3A_42 = vector.load %arg4[%swap3A_40, %swap3A_41] : memref<1x1xf32, #tpu.memory_space<vmem>>, vector<1x1xf32>
    tpu.vector_store %arg4[%swap3A_40, %swap3A_41], %add3A_39 {strides = array<i32>} : memref<1x1xf32, #tpu.memory_space<vmem>>, vector<1x1xf32>,
    return
  }
  func.func @transform_0(%arg0: i32) -> (i32, i32) {
    %add3A = arith.constant 0 : i32
    %add3A_0 = arith.addi %add3A, %arg0 : i32
    %c0_i32 = arith.constant 0 : i32
    %c0_i32_1 = arith.constant 0 : i32
    return %c0_i32, %add3A_0 : i32, i32
  }
  func.func @transform_1(%arg0: i32) -> (i32, i32) {
    %c0_i32 = arith.constant 0 : i32
    %c0_i32_0 = arith.constant 0 : i32
    %c0_i32_1 = arith.constant 0 : i32
    return %c0_i32, %c0_i32_0 : i32, i32
  }
  func.func @transform_2(%arg0: i32) -> i32 {
    %c0_i32 = arith.constant 0 : i32
    return %arg0 : i32
  }
  func.func @transform_3(%arg0: i32) -> (i32, i32) {
    %c0_i32 = arith.constant 0 : i32
    %c0_i32_0 = arith.constant 0 : i32
    %c0_i32_1 = arith.constant 0 : i32
    return %c0_i32, %c0_i32_0 : i32, i32
  }
}

</mosaic_0001>

<sc_bundles>
// kernel: kernel.4.cloned.1.call-start
scs
__scs_entry_jumppad:
0x0: {  	(pc) =	sbr.rel $0x88, $3  }
0x1: {  	(tag) =	ssettag $0x0;
	lr =	simm.s32 $0x1  }
0x2: {  	[smem:$0x3F9F] =	sst lr;
	_ =	strace $0xD0000000  }
0x3: {  	_ = 	snop  }
0x4: {  	_ = 	snop  }
0x5: {  	_ = 	snop  }
0x6: {  	_ = 	snop  }
0x7: {  	_ = 	snop  }
__scs_overlays_trampoline_lowered:
0x8: {  	[smem:$0x3FAE] =	sst s0  }
0x9: {  	[smem:$0x3FAF] =	sst s1  }
0xa: {  	[smem:$0x3FB0] =	sst s2  }
0xb: {  	[smem:$0x3FB1] =	sst s3  }
0xc: {  	[smem:$0x3FB2] =	sst s4  }
0xd: {  	[smem:$0x3FB3] =	sst s5  }
0xe: {  	[smem:$0x3FB4] =	sst s6  }
0xf: {  	[smem:$0x3FB5] =	sst s7  }
0x10: {  	[smem:$0x3FB6] =	sst s8  }
0x11: {  	[smem:$0x3FB7] =	sst s9;
	s0 =	simm.s32 @!p0 $0x0  }
0x12: {  	s1 =	sld [smem:$0x3F9D];
	s0 =	simm.s32 @p0 $0x1  }
0x13: {  	[smem:$0x3FB8] =	sst s0;
	s0 =	simm.s32 @!p1 $0x0  }
0x14: {  	s2 =	sld [smem:$0x3F9C];
	s0 =	simm.s32 @p1 $0x1  }
0x15: {  	[smem:$0x3FB9] =	sst s0;
	s0 =	simm.s32 @!p2 $0x0  }
0x16: {  	s3 =	sld [smem:$0x3FDB];
	s0 =	simm.s32 @p2 $0x1  }
0x17: {  	s4 =	simm.s32 $0x1BF5;
	[smem:$0x3FBB] =	sst s0  }
0x18: {  	s0 =	sld [smem:$0x3F9E];
	_ =	swait.ge [sflag:s4], $0x0  }
0x19: {  	s7 =	sld [smem:$0x3F9F]  }
0x1a: {  	s8 =	sadd.s32 $0xFFFFE003, lr  }
0x1b: {  	s9 =	sadd.s32 $0xFFFFFEF7, lr;
	s5 =	simm.s32 $0xFFFFFFFF;
	p2 =	slt.u32 s8, $0xFFFFF086  }
0x1c: {  	p1 =	slt.u32 s9, $0xF7A;
	s5 =	simm.s32 @!p2 $0x0  }
0x1d: {  	s5 =	simm.s32 @p1 $0x1;
	p0 =	seq.s32 s7, s2  }
0x1e: {  	s7 =	smul.u32 @!p0 $0xF7A, s2;
	p2 =	seq.s32 @!p0 s5, $0x0  }
0x1f: {  	s9 =	smul.u32 $0xF7A, s1;
	s8 =	simm.s32 @!p0 $0x1BF5;
	p2 =	por !p2, p0  }
0x20: {  	[sflag:s8] =	ssyncset.s32 @!p0 $0xFFFFF086;
	s6 =	sadd.s32 @!p0 s3, s7;
	s7 =	simm.s32 @!p0 $0x108  }
0x21: {  	s3 =	sadd.s32 s3, s9;
	s6 =	sadd.s32 @!p0 $0x88, s6;
	s7 =	simm.s32 @p2 $0x1082  }
0x22: {  	[simem:s7], [sflag:s8] =	dma.local @!p0 [hbm:s6], $0xF7A  }
0x23: {  	s9 =	sor.u32 $0xD0000000, s2;
	s6 =	simm.s32 $0x108;
	_ =	swait.ge @!p0 [sflag:s8], $0x0  }
0x24: {  	s3 =	sadd.s32 $0x88, s3;
	s6 =	simm.s32 @!p1 $0x1082;
	[sflag:s4] =	ssyncset.s32 $0xFFFFF086  }
0x25: {  	[simem:s6], [sflag:s4] =	dma.local [hbm:s3], $0xF7A  }
0x26: {  	[smem:$0x3F9F] =	sst s1;
	(tag) =	ssettag s2;
	_ =	strace s9  }
0x27: {  	s1 =	sld [smem:$0x3FAF]  }
0x28: {  	s2 =	sld [smem:$0x3FB0]  }
0x29: {  	s4 =	sld [smem:$0x3FB2]  }
0x2a: {  	p0 =	seq.s32 s5, $0x0;
	s5 =	sld [smem:$0x3FB3]  }
0x2b: {  	s6 =	sld [smem:$0x3FB4]  }
0x2c: {  	s7 =	sld [smem:$0x3FB5]  }
0x2d: {  	s3 =	simm.s32 $0x108;
	s8 =	sld [smem:$0x3FB6]  }
0x2e: {  	s3 =	simm.s32 @!p0 $0x1082;
	s9 =	sld [smem:$0x3FB7]  }
0x2f: {  	lr =	sadd.s32 s0, s3;
	s0 =	sld [smem:$0x3FAE]  }
0x30: {  	s3 =	sld [smem:$0x3FB1]  }
0x31: {  	[smem:$0x3FBA] =	sst s10  }
0x32: {  	s10 =	sld [smem:$0x3FB8];
	_ =	sdelay $0x3  }
0x33: {  	p0 =	seq.s32 s10, $0x1;
	s10 =	sld [smem:$0x3FBA];
	_ =	sdelay $0x3  }
0x34: {  	[smem:$0x3FBA] =	sst s10  }
0x35: {  	s10 =	sld [smem:$0x3FB9];
	_ =	sdelay $0x3  }
0x36: {  	p1 =	seq.s32 s10, $0x1;
	s10 =	sld [smem:$0x3FBA];
	_ =	sdelay $0x3  }
0x37: {  	[smem:$0x3FBA] =	sst s10  }
0x38: {  	s10 =	sld [smem:$0x3FBB]  }
0x39: {  	_ = 	snop;
	(pc) =	sbr.ind lr, $3  }
0x3a: {  	_ = 	snop  }
0x3b: {  	_ = 	snop  }
0x3c: {  	p2 =	seq.s32 s10, $0x1;
	s10 =	sld [smem:$0x3FBA]  }
0x3d: {  	_ =	shalt  }
0x3e: {  	_ =	shalt  }
0x3f: {  	_ =	shalt  }
0x40: {  	_ =	shalt  }
0x41: {  	_ =	shalt  }
0x42: {  	_ =	shalt  }
0x43: {  	_ =	shalt  }
0x44: {  	_ =	shalt  }
0x45: {  	_ =	shalt  }
0x46: {  	_ =	shalt  }
0x47: {  	_ =	shalt  }
0x48: {  	_ =	shalt  }
0x49: {  	_ =	shalt  }
0x4a: {  	_ =	shalt  }
0x4b: {  	_ =	shalt  }
0x4c: {  	_ =	shalt  }
0x4d: {  	_ =	shalt  }
0x4e: {  	_ =	shalt  }
0x4f: {  	_ =	shalt  }
0x50: {  	_ =	shalt  }
0x51: {  	_ =	shalt  }
0x52: {  	_ =	shalt  }
0x53: {  	_ =	shalt  }
0x54: {  	_ =	shalt  }
0x55: {  	_ =	shalt  }
0x56: {  	_ =	shalt  }
0x57: {  	_ =	shalt  }
0x58: {  	_ =	shalt  }
0x59: {  	_ =	shalt  }
0x5a: {  	_ =	shalt  }
0x5b: {  	_ =	shalt  }
0x5c: {  	_ =	shalt  }
0x5d: {  	_ =	shalt  }
0x5e: {  	_ =	shalt  }
0x5f: {  	_ =	shalt  }
0x60: {  	_ =	shalt  }
0x61: {  	_ =	shalt  }
0x62: {  	_ =	shalt  }
0x63: {  	_ =	shalt  }
0x64: {  	_ =	shalt  }
0x65: {  	_ =	shalt  }
0x66: {  	_ =	shalt  }
0x67: {  	_ =	shalt  }
0x68: {  	_ =	shalt  }
0x69: {  	_ =	shalt  }
0x6a: {  	_ =	shalt  }
0x6b: {  	_ =	shalt  }
0x6c: {  	_ =	shalt  }
0x6d: {  	_ =	shalt  }
0x6e: {  	_ =	shalt  }
0x6f: {  	_ =	shalt  }
0x70: {  	_ =	shalt  }
0x71: {  	_ =	shalt  }
0x72: {  	_ =	shalt  }
0x73: {  	_ =	shalt  }
0x74: {  	_ =	shalt  }
0x75: {  	_ =	shalt  }
0x76: {  	_ =	shalt  }
0x77: {  	_ =	shalt  }
0x78: {  	_ =	shalt  }
0x79: {  	_ =	shalt  }
0x7a: {  	_ =	shalt  }
0x7b: {  	_ =	shalt  }
0x7c: {  	_ =	shalt  }
0x7d: {  	_ =	shalt  }
0x7e: {  	_ =	shalt  }
0x7f: {  	_ =	shalt  }
0x80: {  	_ =	shalt  }
0x81: {  	_ =	shalt  }
0x82: {  	_ =	shalt  }
0x83: {  	_ =	shalt  }
0x84: {  	_ =	shalt  }
0x85: {  	_ =	shalt  }
0x86: {  	_ =	shalt  }
0x87: {  	_ =	shalt  }
.Lfunc_end0:
.L_simem_size_0:
called_computation_lowered:
.L_overlay_start_0:
0x88: {  	s2 =	sld [smem:$0x3FD9]  }
0x89: {  	s3 =	sld [smem:$0x3FFE];
	_ =	sdelay $0x1  }
0x8a: {  	s1 =	srdreg.scid  }
0x8b: {  	s0 =	sand.u32 $0x1, s1  }
0x8c: {  	s14 =	sshll.u32 s0, $0xA;
	s2 =	sadd.s32 s3, s2  }
0x8d: {  	s2 =	sadd.s32 s2, s14  }
0x8e: {  	[smem:$0x3FC6] =	sst s2  }
0x8f: {  	_ = 	snop  }
0x90: {  	s2 =	sld [smem:$0x3FD0];
	_ =	sdelay $0x2  }
0x91: {  	s15 =	simm.s32 $0xA;
	s4 =	simm.s32 $0x10  }
0x92: {  	[smem:s4], [sflag:s15] =	dma.local [hbm:s2], $0x1  }
0x93: {  	_ =	swait.eq [sflag:s15], $0x1  }
0x94: {  	[sflag:s15] =	ssyncset.done $0x0  }
0x95: {  	s16 =	sld [smem:$0x10];
	[sflag:s15] =	ssyncadd.s32 $0xFFFFFFFF  }
0x96: {  	s17 =	sld [smem:$0x11];
	(tm) =	ssettm $0x1  }
0x97: {  	s18 =	sld [smem:$0x3FFB];
	_ =	sdelay $0x3  }
0x98: {  	_ =	strace s18  }
0x99: {  	s4 =	sld [smem:$0x3FFC];
	_ =	sdelay $0x3  }
0x9a: {  	_ =	strace s4  }
0x9b: {  	s4 =	sld [smem:$0x3FFD];
	_ =	sdelay $0x3  }
0x9c: {  	_ =	strace s4  }
0x9d: {  	_ =	strace $0x8FFFFFFF  }
0x9e: {  	s19 =	sld [smem:$0x3FDB];
	_ =	sdelay $0x1  }
0x9f: {  	s5 =	simm.s32 $_scs_section_size  }
0xa0: {  	s6 =	simm.s32 $_size__tile_overlayer_lowered;
	s7 =	simm.s32 $_tile_overlayer_lowered  }
0xa1: {  	s22 =	simm.s32 $0x1BFF;
	s21 =	sshll.u32 s7, $0x1;
	s4 =	sadd.s32 s5, s19  }
0xa2: {  	s8 =	simm.s32 $0x0;
	s20 =	sshll.u32 s6, $0x1;
	s6 =	sadd.s32 s21, s4  }
0xa3: {  	[timem:s8], [sflag:s22] =	dma.local [hbm:s6], s20  }
0xa4: {  	_ =	swait.ge [sflag:s22], s20  }
0xa5: {  	s5 =	ssub.s32 $0x0, s20;
	[sflag:s22] =	ssyncset.done $0x0  }
0xa6: {  	[sflag:s22] =	ssyncadd.s32 s5;
	_ =	sdelay $0x1  }
0xa7: {  	s23 =	simm.s32 $0x1B8B  }
0xa8: {  	_ =	swait.ge [sflag:s23], $0x1  }
0xa9: {  	[sflag:s23] =	ssyncset.done $0x0  }
0xaa: {  	s25 =	simm.s32 $0x1B8E;
	s24 =	sld [smem:$0x3FFE];
	[sflag:s23] =	ssyncadd.s32 $0xFFFFFFFF  }
0xab: {  	s26 =	simm.s32 $execute0_lowered;
	[smem:$0x3FD2] =	sst s25  }
0xac: {  	s6 =	sshll.u32 s26, $0x1;
	_ =	strace $0x80000046;
	[dreg:$0x1] =	wrdreg $0xFFFFFFFF  }
0xad: {  	s28 =	simm.s32 $_size_execute0_lowered;
	s4 =	sadd.s32 s4, s6;
	[dreg:$0x0] =	wrdreg $0x0  }
0xae: {  	s6 =	sshll.u32 s28, $0x1;
	[dreg:$0x2] =	wrdreg s4  }
0xaf: {  	[dreg:$0x3] =	wrdreg s6  }
0xb0: {  	[dreg:$0x4] =	wrdreg $0xC0  }
0xb1: {  	_ =	task [dreg:s8], $0x5FFFF  }
0xb2: {  	[dreg:$0x1] =	wrdreg $0xFFFFFFFF  }
0xb3: {  	[dreg:$0x0] =	wrdreg $0x60  }
0xb4: {  	[dreg:$0x2] =	wrdreg s24  }
0xb5: {  	[dreg:$0x3] =	wrdreg s17  }
0xb6: {  	[dreg:$0x4] =	wrdreg s16  }
0xb7: {  	[dreg:$0x5] =	wrdreg $0x9  }
0xb8: {  	_ =	task.clear_ibuf [dreg:s8], $0x6FFFF;
	_ =	strace $0x90000046  }
0xb9: {  	s29 =	simm.s32 $0x9;
	_ =	strace $0x80000048  }
0xba: {  	_ =	swait.ge [sflag:s29], $0x1  }
0xbb: {  	[sflag:s29] =	ssyncadd.s32 $0xFFFFFFFF  }
0xbc: {  	_ =	strace $0x90000048  }
0xbd: {  	_ =	sfence  }
0xbe: {  	s30 =	sld [smem:$0x0];
	_ =	sdelay $0x2  }
0xbf: {  	s31 =	sshll.u32 s1, $0xD;
	s1 =	sshrl.u32 s1, $0x2  }
0xc0: {  	s3 =	sand.u32 $0x4000, s31;
	s1 =	sadd.s32 s1, s30  }
0xc1: {  	s0 =	sor.u32 s3, s0;
	s1 =	sshll.u32 s1, $0x11  }
0xc2: {  	s0 =	sor.u32 s1, s0  }
0xc3: {  	s0 =	sadd.s32 $0x8F2B, s0  }
0xc4: {  	[sflag:s0] =	ssyncadd.remote.s32 $0x1  }
0xc5: {  	_ =	sfence.sel $0xFFFF  }
0xc6: {  	[dreg:$0x0] =	wrdreg $0xFFFFFFFF;
	(pc) =	sbr.abs _section_cstart, $3  }
0xc7: {  	[dreg:$0x1] =	wrdreg $0xFFFFFFFF  }
0xc8: {  	_ =	task.clear_ibuf [dreg:s8], $0x2FFFF;
	_ =	strace $0x9FFFFFFF  }
0xc9: {  	(tm) =	ssettm $0x7FFFFFFF  }
tec
execute0_lowered:
.L_overlay_start_1:
0x0: {  	(tag) =	ssettag $0x1  }
0x1: {  	s3 =	rddreg [dreg:$0x0]  }
0x2: {  	s5 =	rddreg [dreg:$0x1]  }
0x3: {  	s4 =	rddreg [dreg:$0x2]  }
0x4: {  	s2 =	simm.s32 $0x0;
	s6 =	srdreg.scid;
	s1 =	stileid.u32  }
0x5: {  	s11 =	simm.s32 $0x800;
	s12 =	simm.s32 $0x4800;
	s13 =	simm.s32 $0x8800  }
0x6: {  	s14 =	simm.s32 $0xC800;
	s15 =	simm.s32 $0x10800;
	s16 =	simm.s32 $0x0  }
0x7: {  	[smem:$0x7FF] =	sst s2;
	s6 =	sand.u32 $0x1, s6;
	s7 =	sshll.u32 s1, $0x1  }
0x8: {  	s3 =	sadd.s32 $0x800, s3;
	s8 =	ssub.s32 $0x2, s6;
	s6 =	sor.u32 s6, s7  }
0x9: {  	_ =	strace $0x80000047;
	s31 =	sshrl.u32 s8, $0x1;
	s9 =	sshll.u32 s6, $0xB  }
0xa: {  	s6 =	sshll.u32 s6, $0x8;
	s10 =	ssub.s32 s8, s31;
	s4 =	sadd.s32 s4, s9  }
0xb: {  	s5 =	sadd.s32 s5, s6;
	s6 =	sadd.s32 $0x10000, s4;
	s7 =	sadd.s32 $0x20000, s4  }
0xc: {  	s8 =	sadd.s32 $0x30000, s4;
	s9 =	smax.u32 s10, $0x1;
	s10 =	simm.s32 $0x1  }
.LBB2_1:
0xd: {  	[tilespmem:s2], [sflag:$0x1] =	stream.linear.gather [hbm4b:s5+s2], $0x800, $0x38;
	[tilespmem:$0x14800] =	vst v63  }
0xe: {  	_ =	swait.ge [sflag:s10], $0x800  }
0xf: {  	[sflag:s10] =	ssyncset.done $0x0  }
0x10: {  	[sflag:s10] =	ssyncadd.s32 $0xFFFFF800  }
0x11: {  	[tilespmem:s11], [sflag:$0x1] =	stream.linear.gather [hbm4b:s3+s2], $0x4000, $0x38;
	[tilespmem:$0x14800] =	vst v63  }
0x12: {  	_ =	swait.ge [sflag:s10], $0x4000  }
0x13: {  	[sflag:s10] =	ssyncset.done $0x0  }
0x14: {  	s17 =	simm.s32 $0x20;
	[sflag:s10] =	ssyncadd.s32 $0xFFFFC000  }
0x15: {  	v0 =	vld [tilespmem:s17+$0x10]  }
0x16: {  	v1 =	vld [tilespmem:s17+$0xFFFFFFF0];
	_ =	sdelay $0x1  }
0x17: {  	v2 =	vld [tilespmem:s17+$0xFFFFFFE0]  }
0x18: {  	v5 =	vld [tilespmem:s17+$0x0]  }
0x19: {  	v4 =	vshll.u32 v0, $0x5  }
0x1a: {  	v1 =	vshll.u32 v1, $0x5;
	_ =	sdelay $0x1  }
0x1b: {  	v3 =	vshll.u32 v2, $0x5  }
0x1c: {  	v2 =	vshll.u32 v5, $0x5  }
0x1d: {  	v0 =	vld.idx.msk [tilespmem:v4+s11+$0x0], $0xffff  }
0x1e: {  	v5 =	vor.u32 $0x1, v4;
	v6 =	vld.idx.msk [tilespmem:v1+s11+$0x0], $0xffff  }
0x1f: {  	s21 =	simm.s32 $0x30;
	s18 =	sand.u32 $0x3C00, s2;
	v7 =	vor.u32 $0x1, v1  }
0x20: {  	s22 =	simm.s32 $0x10;
	s19 =	sadd.s32 $0x4800, s18;
	s17 =	sand.u32 $0x70, s21;
	v8 =	vld.idx.msk [tilespmem:v3+s11+$0x0], $0xffff  }
0x21: {  	s23 =	sand.u32 $0x50, s22;
	s26 =	sor.u32 s17, s19;
	v9 =	vor.u32 $0x1, v3;
	v10 =	vld.idx.msk [tilespmem:v2+s11+$0x0], $0xffff  }
0x22: {  	s20 =	simm.s32 $0x0;
	s18 =	sor.u32 s23, s19;
	[tilespmem:s26+$0x0] =	vst v0;
	v0 =	vor.u32 $0x1, v2  }
0x23: {  	s24 =	simm.s32 $0x20;
	s20 =	sand.u32 $0x40, s20;
	[tilespmem:s18+$0x0] =	vst v6;
	v5 =	vld.idx.msk [tilespmem:v5+s11+$0x0], $0xffff  }
0x24: {  	s21 =	sand.u32 $0x60, s24;
	s17 =	sor.u32 s20, s19;
	v6 =	vor.u32 $0x2, v4;
	v7 =	vld.idx.msk [tilespmem:v7+s11+$0x0], $0xffff  }
0x25: {  	s19 =	sor.u32 s21, s19;
	v11 =	vor.u32 $0x2, v1;
	[tilespmem:s17+$0x0] =	vst v8  }
0x26: {  	[tilespmem:s19+$0x0] =	vst v10;
	v8 =	vld.idx.msk [tilespmem:v9+s11+$0x0], $0xffff  }
0x27: {  	v9 =	vor.u32 $0x2, v3;
	v0 =	vld.idx.msk [tilespmem:v0+s11+$0x0], $0xffff  }
0x28: {  	[tilespmem:s26+$0x80] =	vst v5;
	v5 =	vor.u32 $0x2, v2  }
0x29: {  	[tilespmem:s18+$0x80] =	vst v7;
	v6 =	vld.idx.msk [tilespmem:v6+s11+$0x0], $0xffff  }
0x2a: {  	v7 =	vor.u32 $0x3, v4;
	v10 =	vld.idx.msk [tilespmem:v11+s11+$0x0], $0xffff  }
0x2b: {  	[tilespmem:s17+$0x80] =	vst v8;
	v11 =	vor.u32 $0x3, v1  }
0x2c: {  	v8 =	vld.idx.msk [tilespmem:v9+s11+$0x0], $0xffff;
	[tilespmem:s19+$0x80] =	vst v0  }
0x2d: {  	v0 =	vor.u32 $0x3, v3;
	v5 =	vld.idx.msk [tilespmem:v5+s11+$0x0], $0xffff  }
0x2e: {  	[tilespmem:s26+$0x100] =	vst v6;
	v6 =	vor.u32 $0x3, v2  }
0x2f: {  	[tilespmem:s18+$0x100] =	vst v10;
	v7 =	vld.idx.msk [tilespmem:v7+s11+$0x0], $0xffff  }
0x30: {  	v9 =	vor.u32 $0x4, v4;
	v10 =	vld.idx.msk [tilespmem:v11+s11+$0x0], $0xffff  }
0x31: {  	[tilespmem:s17+$0x100] =	vst v8;
	v11 =	vor.u32 $0x4, v1  }
0x32: {  	v0 =	vld.idx.msk [tilespmem:v0+s11+$0x0], $0xffff;
	[tilespmem:s19+$0x100] =	vst v5  }
0x33: {  	v5 =	vor.u32 $0x4, v3;
	v6 =	vld.idx.msk [tilespmem:v6+s11+$0x0], $0xffff  }
0x34: {  	[tilespmem:s26+$0x180] =	vst v7;
	v7 =	vor.u32 $0x4, v2  }
0x35: {  	[tilespmem:s18+$0x180] =	vst v10;
	v8 =	vld.idx.msk [tilespmem:v9+s11+$0x0], $0xffff  }
0x36: {  	v9 =	vor.u32 $0x5, v4;
	v10 =	vld.idx.msk [tilespmem:v11+s11+$0x0], $0xffff  }
0x37: {  	v11 =	vor.u32 $0x5, v1;
	[tilespmem:s17+$0x180] =	vst v0  }
0x38: {  	v0 =	vld.idx.msk [tilespmem:v5+s11+$0x0], $0xffff;
	[tilespmem:s19+$0x180] =	vst v6  }
0x39: {  	v5 =	vor.u32 $0x5, v3;
	v6 =	vld.idx.msk [tilespmem:v7+s11+$0x0], $0xffff  }
0x3a: {  	v7 =	vor.u32 $0x5, v2;
	[tilespmem:s26+$0x200] =	vst v8  }
0x3b: {  	[tilespmem:s18+$0x200] =	vst v10;
	v8 =	vld.idx.msk [tilespmem:v9+s11+$0x0], $0xffff  }
0x3c: {  	v9 =	vor.u32 $0x6, v4;
	v10 =	vld.idx.msk [tilespmem:v11+s11+$0x0], $0xffff  }
0x3d: {  	v11 =	vor.u32 $0x6, v1;
	[tilespmem:s17+$0x200] =	vst v0  }
0x3e: {  	v0 =	vld.idx.msk [tilespmem:v5+s11+$0x0], $0xffff;
	[tilespmem:s19+$0x200] =	vst v6  }
0x3f: {  	v5 =	vor.u32 $0x6, v3;
	v6 =	vld.idx.msk [tilespmem:v7+s11+$0x0], $0xffff  }
0x40: {  	v7 =	vor.u32 $0x6, v2;
	[tilespmem:s26+$0x280] =	vst v8  }
0x41: {  	[tilespmem:s18+$0x280] =	vst v10;
	v8 =	vld.idx.msk [tilespmem:v9+s11+$0x0], $0xffff  }
0x42: {  	v9 =	vor.u32 $0x7, v4;
	v10 =	vld.idx.msk [tilespmem:v11+s11+$0x0], $0xffff  }
0x43: {  	v11 =	vor.u32 $0x7, v1;
	[tilespmem:s17+$0x280] =	vst v0  }
0x44: {  	v0 =	vld.idx.msk [tilespmem:v5+s11+$0x0], $0xffff;
	[tilespmem:s19+$0x280] =	vst v6  }
0x45: {  	v5 =	vor.u32 $0x7, v3;
	v6 =	vld.idx.msk [tilespmem:v7+s11+$0x0], $0xffff  }
0x46: {  	v7 =	vor.u32 $0x7, v2;
	[tilespmem:s26+$0x300] =	vst v8  }
0x47: {  	[tilespmem:s18+$0x300] =	vst v10;
	v8 =	vld.idx.msk [tilespmem:v9+s11+$0x0], $0xffff  }
0x48: {  	v9 =	vor.u32 $0x8, v4;
	v10 =	vld.idx.msk [tilespmem:v11+s11+$0x0], $0xffff  }
0x49: {  	v11 =	vor.u32 $0x8, v1;
	[tilespmem:s17+$0x300] =	vst v0  }
0x4a: {  	v0 =	vld.idx.msk [tilespmem:v5+s11+$0x0], $0xffff;
	[tilespmem:s19+$0x300] =	vst v6  }
0x4b: {  	v5 =	vor.u32 $0x8, v3;
	v6 =	vld.idx.msk [tilespmem:v7+s11+$0x0], $0xffff  }
0x4c: {  	v7 =	vor.u32 $0x8, v2;
	[tilespmem:s26+$0x380] =	vst v8  }
0x4d: {  	[tilespmem:s18+$0x380] =	vst v10;
	v8 =	vld.idx.msk [tilespmem:v9+s11+$0x0], $0xffff  }
0x4e: {  	v9 =	vor.u32 $0x9, v4;
	v10 =	vld.idx.msk [tilespmem:v11+s11+$0x0], $0xffff  }
0x4f: {  	v11 =	vor.u32 $0x9, v1;
	[tilespmem:s17+$0x380] =	vst v0  }
0x50: {  	v0 =	vld.idx.msk [tilespmem:v5+s11+$0x0], $0xffff;
	[tilespmem:s19+$0x380] =	vst v6  }
0x51: {  	v5 =	vor.u32 $0x9, v3;
	v6 =	vld.idx.msk [tilespmem:v7+s11+$0x0], $0xffff  }
0x52: {  	v7 =	vor.u32 $0x9, v2;
	[tilespmem:s26+$0x4000] =	vst v8  }
0x53: {  	[tilespmem:s18+$0x4000] =	vst v10;
	v8 =	vld.idx.msk [tilespmem:v9+s11+$0x0], $0xffff  }
0x54: {  	v9 =	vor.u32 $0xA, v4;
	v10 =	vld.idx.msk [tilespmem:v11+s11+$0x0], $0xffff  }
0x55: {  	v11 =	vor.u32 $0xA, v1;
	[tilespmem:s17+$0x4000] =	vst v0  }
0x56: {  	v0 =	vld.idx.msk [tilespmem:v5+s11+$0x0], $0xffff;
	[tilespmem:s19+$0x4000] =	vst v6  }
0x57: {  	v5 =	vor.u32 $0xA, v3;
	v6 =	vld.idx.msk [tilespmem:v7+s11+$0x0], $0xffff  }
0x58: {  	v7 =	vor.u32 $0xA, v2;
	[tilespmem:s26+$0x4080] =	vst v8  }
0x59: {  	[tilespmem:s18+$0x4080] =	vst v10;
	v8 =	vld.idx.msk [tilespmem:v9+s11+$0x0], $0xffff  }
0x5a: {  	v9 =	vor.u32 $0xB, v4;
	v10 =	vld.idx.msk [tilespmem:v11+s11+$0x0], $0xffff  }
0x5b: {  	v11 =	vor.u32 $0xB, v1;
	[tilespmem:s17+$0x4080] =	vst v0  }
0x5c: {  	v0 =	vld.idx.msk [tilespmem:v5+s11+$0x0], $0xffff;
	[tilespmem:s19+$0x4080] =	vst v6  }
0x5d: {  	v5 =	vor.u32 $0xB, v3;
	v6 =	vld.idx.msk [tilespmem:v7+s11+$0x0], $0xffff  }
0x5e: {  	v7 =	vor.u32 $0xB, v2;
	[tilespmem:s26+$0x4100] =	vst v8  }
0x5f: {  	[tilespmem:s18+$0x4100] =	vst v10;
	v8 =	vld.idx.msk [tilespmem:v9+s11+$0x0], $0xffff  }
0x60: {  	v9 =	vor.u32 $0xC, v4;
	v10 =	vld.idx.msk [tilespmem:v11+s11+$0x0], $0xffff  }
0x61: {  	v11 =	vor.u32 $0xC, v1;
	[tilespmem:s17+$0x4100] =	vst v0  }
0x62: {  	v0 =	vld.idx.msk [tilespmem:v5+s11+$0x0], $0xffff;
	[tilespmem:s19+$0x4100] =	vst v6  }
0x63: {  	v5 =	vor.u32 $0xC, v3;
	v6 =	vld.idx.msk [tilespmem:v7+s11+$0x0], $0xffff  }
0x64: {  	v7 =	vor.u32 $0xC, v2;
	[tilespmem:s26+$0x4180] =	vst v8  }
0x65: {  	[tilespmem:s18+$0x4180] =	vst v10;
	v8 =	vld.idx.msk [tilespmem:v9+s11+$0x0], $0xffff  }
0x66: {  	v9 =	vor.u32 $0xD, v4;
	v10 =	vld.idx.msk [tilespmem:v11+s11+$0x0], $0xffff  }
0x67: {  	v11 =	vor.u32 $0xD, v1;
	[tilespmem:s17+$0x4180] =	vst v0  }
0x68: {  	v0 =	vld.idx.msk [tilespmem:v5+s11+$0x0], $0xffff;
	[tilespmem:s19+$0x4180] =	vst v6  }
0x69: {  	v5 =	vor.u32 $0xD, v3;
	v6 =	vld.idx.msk [tilespmem:v7+s11+$0x0], $0xffff  }
0x6a: {  	v7 =	vor.u32 $0xD, v2;
	[tilespmem:s26+$0x4200] =	vst v8  }
0x6b: {  	[tilespmem:s18+$0x4200] =	vst v10;
	v8 =	vld.idx.msk [tilespmem:v9+s11+$0x0], $0xffff  }
0x6c: {  	v9 =	vor.u32 $0xE, v4;
	v10 =	vld.idx.msk [tilespmem:v11+s11+$0x0], $0xffff  }
0x6d: {  	v11 =	vor.u32 $0xE, v1;
	[tilespmem:s17+$0x4200] =	vst v0  }
0x6e: {  	v0 =	vld.idx.msk [tilespmem:v5+s11+$0x0], $0xffff;
	[tilespmem:s19+$0x4200] =	vst v6  }
0x6f: {  	v5 =	vor.u32 $0xE, v3;
	v6 =	vld.idx.msk [tilespmem:v7+s11+$0x0], $0xffff  }
0x70: {  	v7 =	vor.u32 $0xE, v2;
	[tilespmem:s26+$0x4280] =	vst v8  }
0x71: {  	[tilespmem:s18+$0x4280] =	vst v10;
	v8 =	vld.idx.msk [tilespmem:v9+s11+$0x0], $0xffff  }
0x72: {  	v9 =	vor.u32 $0xF, v4;
	v10 =	vld.idx.msk [tilespmem:v11+s11+$0x0], $0xffff  }
0x73: {  	v11 =	vor.u32 $0xF, v1;
	[tilespmem:s17+$0x4280] =	vst v0  }
0x74: {  	v0 =	vld.idx.msk [tilespmem:v5+s11+$0x0], $0xffff;
	[tilespmem:s19+$0x4280] =	vst v6  }
0x75: {  	v5 =	vor.u32 $0xF, v3;
	v6 =	vld.idx.msk [tilespmem:v7+s11+$0x0], $0xffff  }
0x76: {  	v7 =	vor.u32 $0xF, v2;
	[tilespmem:s26+$0x4300] =	vst v8  }
0x77: {  	[tilespmem:s18+$0x4300] =	vst v10;
	v8 =	vld.idx.msk [tilespmem:v9+s11+$0x0], $0xffff  }
0x78: {  	v9 =	vor.u32 $0x10, v4;
	v10 =	vld.idx.msk [tilespmem:v11+s11+$0x0], $0xffff  }
0x79: {  	v11 =	vor.u32 $0x10, v1;
	[tilespmem:s17+$0x4300] =	vst v0  }
0x7a: {  	v0 =	vld.idx.msk [tilespmem:v5+s11+$0x0], $0xffff;
	[tilespmem:s19+$0x4300] =	vst v6  }
0x7b: {  	v5 =	vor.u32 $0x10, v3;
	v6 =	vld.idx.msk [tilespmem:v7+s11+$0x0], $0xffff  }
0x7c: {  	v7 =	vor.u32 $0x10, v2;
	[tilespmem:s26+$0x4380] =	vst v8  }
0x7d: {  	[tilespmem:s18+$0x4380] =	vst v10;
	v8 =	vld.idx.msk [tilespmem:v9+s11+$0x0], $0xffff  }
0x7e: {  	s25 =	simm.s32 $0x60;
	v9 =	vor.u32 $0x11, v4;
	v10 =	vld.idx.msk [tilespmem:v11+s11+$0x0], $0xffff  }
0x7f: {  	v13 =	vld [tilespmem:s25+$0xFFFFFFE0];
	v11 =	vor.u32 $0x11, v1;
	[tilespmem:s17+$0x4380] =	vst v0  }
0x80: {  	v5 =	vld.idx.msk [tilespmem:v5+s11+$0x0], $0xffff;
	[tilespmem:s19+$0x4380] =	vst v6  }
0x81: {  	v6 =	vld.idx.msk [tilespmem:v7+s11+$0x0], $0xffff  }
0x82: {  	[tilespmem:s26+$0x8000] =	vst v8;
	v8 =	vld [tilespmem:s25+$0x10]  }
0x83: {  	[tilespmem:s18+$0x8000] =	vst v10;
	v0 =	vld.idx.msk [tilespmem:v9+s11+$0x0], $0xffff  }
0x84: {  	v10 =	vor.u32 $0x11, v3;
	v9 =	vld.idx.msk [tilespmem:v11+s11+$0x0], $0xffff  }
0x85: {  	v7 =	vor.u32 $0x12, v4;
	v11 =	vld [tilespmem:s25+$0xFFFFFFF0]  }
0x86: {  	v15 =	vld [tilespmem:s25+$0x0];
	v12 =	vor.u32 $0x11, v2  }
0x87: {  	v14 =	vor.u32 $0x12, v1;
	[tilespmem:s17+$0x8000] =	vst v5  }
0x88: {  	[tilespmem:s19+$0x8000] =	vst v6;
	v42 =	vshll.u32 v8, $0x5  }
0x89: {  	v6 =	vshll.u32 v13, $0x5;
	v8 =	vld.idx.msk [tilespmem:v10+s11+$0x0], $0xffff;
	[tilespmem:s26+$0x8080] =	vst v0  }
0x8a: {  	v45 =	vshll.u32 v11, $0x5;
	v7 =	vld.idx.msk [tilespmem:v7+s11+$0x0], $0xffff  }
0x8b: {  	v48 =	vshll.u32 v15, $0x5;
	[tilespmem:s18+$0x8080] =	vst v9;
	v9 =	vld.idx.msk [tilespmem:v12+s11+$0x0], $0xffff  }
0x8c: {  	v5 =	vor.u32 $0x13, v4;
	v10 =	vld.idx.msk [tilespmem:v14+s11+$0x0], $0xffff  }
0x8d: {  	v11 =	vor.u32 $0x12, v3;
	v12 =	vld.idx.msk [tilespmem:v42+s11+$0x0], $0xffff  }
0x8e: {  	s24 =	simm.s32 $0x200;
	v14 =	vor.u32 $0x1, v42;
	[tilespmem:s17+$0x8080] =	vst v8;
	v8 =	vld.idx.msk [tilespmem:v6+s11+$0x0], $0xffff  }
0x8f: {  	s29 =	sand.u32 $0x3C00, s24;
	s25 =	simm.s32 $0x70;
	v13 =	vld.idx.msk [tilespmem:v45+s11+$0x0], $0xffff;
	[tilespmem:s26+$0x8100] =	vst v7;
	v7 =	vor.u32 $0x12, v2  }
0x90: {  	s22 =	sadd.s32 $0x4800, s29;
	s30 =	sand.u32 $0x70, s25;
	v16 =	vor.u32 $0x1, v45;
	[tilespmem:s19+$0x8080] =	vst v9;
	v9 =	vld.idx.msk [tilespmem:v48+s11+$0x0], $0xffff  }
0x91: {  	s31 =	simm.s32 $0x50;
	s20 =	sor.u32 s30, s22;
	v17 =	vor.u32 $0x1, v6;
	[tilespmem:s18+$0x8100] =	vst v10;
	v5 =	vld.idx.msk [tilespmem:v5+s11+$0x0], $0xffff  }
0x92: {  	s23 =	simm.s32 $0x40;
	s21 =	sand.u32 $0x50, s31;
	v10 =	vld.idx.msk [tilespmem:v11+s11+$0x0], $0xffff;
	[tilespmem:s20+$0x0] =	vst v12  }
0x93: {  	s23 =	sand.u32 $0x40, s23;
	s21 =	sor.u32 s21, s22;
	v15 =	vor.u32 $0x14, v4;
	v14 =	vld.idx.msk [tilespmem:v14+s11+$0x0], $0xffff  }
0x94: {  	s23 =	sor.u32 s23, s22;
	v11 =	vor.u32 $0x1, v48;
	[tilespmem:s21+$0x0] =	vst v13;
	v7 =	vld.idx.msk [tilespmem:v7+s11+$0x0], $0xffff  }
0x95: {  	s28 =	simm.s32 $0x60;
	v12 =	vor.u32 $0x13, v3;
	[tilespmem:s23+$0x0] =	vst v8;
	v8 =	vld.idx.msk [tilespmem:v16+s11+$0x0], $0xffff  }
0x96: {  	s28 =	sand.u32 $0x60, s28;
	v16 =	vld.idx.msk [tilespmem:v17+s11+$0x0], $0xffff;
	[tilespmem:s26+$0x8180] =	vst v5;
	v5 =	vor.u32 $0x13, v1  }
0x97: {  	s22 =	sor.u32 s28, s22;
	[tilespmem:s17+$0x8100] =	vst v10;
	v10 =	vor.u32 $0x2, v6  }
0x98: {  	[tilespmem:s22+$0x0] =	vst v9;
	v13 =	vld.idx.msk [tilespmem:v15+s11+$0x0], $0xffff;
	v15 =	vor.u32 $0x2, v42  }
0x99: {  	v9 =	vor.u32 $0x15, v4;
	v11 =	vld.idx.msk [tilespmem:v11+s11+$0x0], $0xffff;
	[tilespmem:s20+$0x80] =	vst v14  }
0x9a: {  	v17 =	vor.u32 $0x2, v45;
	v12 =	vld.idx.msk [tilespmem:v12+s11+$0x0], $0xffff;
	[tilespmem:s19+$0x8100] =	vst v7  }
0x9b: {  	v7 =	vor.u32 $0x2, v48;
	[tilespmem:s23+$0x80] =	vst v16;
	v5 =	vld.idx.msk [tilespmem:v5+s11+$0x0], $0xffff  }
0x9c: {  	v14 =	vor.u32 $0x13, v2;
	[tilespmem:s21+$0x80] =	vst v8;
	v10 =	vld.idx.msk [tilespmem:v10+s11+$0x0], $0xffff  }
0x9d: {  	v15 =	vld.idx.msk [tilespmem:v15+s11+$0x0], $0xffff;
	[tilespmem:s26+$0x8200] =	vst v13;
	v13 =	vor.u32 $0x14, v3  }
0x9e: {  	v16 =	vor.u32 $0x3, v42;
	[tilespmem:s22+$0x80] =	vst v11;
	v8 =	vld.idx.msk [tilespmem:v9+s11+$0x0], $0xffff  }
0x9f: {  	v9 =	vld.idx.msk [tilespmem:v17+s11+$0x0], $0xffff;
	[tilespmem:s17+$0x8180] =	vst v12;
	v12 =	vor.u32 $0x3, v6  }
0xa0: {  	v11 =	vor.u32 $0x16, v4;
	v7 =	vld.idx.msk [tilespmem:v7+s11+$0x0], $0xffff;
	[tilespmem:s18+$0x8180] =	vst v5  }
0xa1: {  	v17 =	vor.u32 $0x3, v45;
	v5 =	vld.idx.msk [tilespmem:v14+s11+$0x0], $0xffff;
	[tilespmem:s23+$0x100] =	vst v10  }
0xa2: {  	v14 =	vor.u32 $0x3, v48;
	[tilespmem:s20+$0x100] =	vst v15;
	v13 =	vld.idx.msk [tilespmem:v13+s11+$0x0], $0xffff  }
0xa3: {  	v15 =	vor.u32 $0x14, v1;
	v16 =	vld.idx.msk [tilespmem:v16+s11+$0x0], $0xffff;
	[tilespmem:s26+$0x8280] =	vst v8  }
0xa4: {  	v8 =	vor.u32 $0x14, v2;
	[tilespmem:s21+$0x100] =	vst v9;
	v12 =	vld.idx.msk [tilespmem:v12+s11+$0x0], $0xffff  }
0xa5: {  	v9 =	vld.idx.msk [tilespmem:v11+s11+$0x0], $0xffff;
	v11 =	vor.u32 $0x4, v42;
	[tilespmem:s22+$0x100] =	vst v7  }
0xa6: {  	v10 =	vld.idx.msk [tilespmem:v17+s11+$0x0], $0xffff;
	v7 =	vor.u32 $0x17, v4;
	[tilespmem:s19+$0x8180] =	vst v5  }
0xa7: {  	v17 =	vor.u32 $0x4, v45;
	v14 =	vld.idx.msk [tilespmem:v14+s11+$0x0], $0xffff;
	[tilespmem:s17+$0x8200] =	vst v13  }
0xa8: {  	v5 =	vor.u32 $0x4, v6;
	v13 =	vld.idx.msk [tilespmem:v15+s11+$0x0], $0xffff;
	[tilespmem:s20+$0x180] =	vst v16  }
0xa9: {  	v15 =	vor.u32 $0x4, v48;
	v8 =	vld.idx.msk [tilespmem:v8+s11+$0x0], $0xffff;
	[tilespmem:s23+$0x180] =	vst v12  }
0xaa: {  	v16 =	vor.u32 $0x15, v3;
	v11 =	vld.idx.msk [tilespmem:v11+s11+$0x0], $0xffff;
	[tilespmem:s26+$0x8300] =	vst v9  }
0xab: {  	v9 =	vor.u32 $0x15, v1;
	[tilespmem:s21+$0x180] =	vst v10;
	v7 =	vld.idx.msk [tilespmem:v7+s11+$0x0], $0xffff  }
0xac: {  	v12 =	vor.u32 $0x5, v42;
	v10 =	vld.idx.msk [tilespmem:v17+s11+$0x0], $0xffff;
	[tilespmem:s22+$0x180] =	vst v14  }
0xad: {  	v5 =	vld.idx.msk [tilespmem:v5+s11+$0x0], $0xffff;
	v14 =	vor.u32 $0x18, v4;
	[tilespmem:s18+$0x8200] =	vst v13  }
0xae: {  	v17 =	vor.u32 $0x5, v45;
	v15 =	vld.idx.msk [tilespmem:v15+s11+$0x0], $0xffff;
	[tilespmem:s19+$0x8200] =	vst v8  }
0xaf: {  	v13 =	vor.u32 $0x5, v6;
	v16 =	vld.idx.msk [tilespmem:v16+s11+$0x0], $0xffff;
	[tilespmem:s20+$0x200] =	vst v11  }
0xb0: {  	v8 =	vor.u32 $0x5, v48;
	v9 =	vld.idx.msk [tilespmem:v9+s11+$0x0], $0xffff;
	[tilespmem:s26+$0x8380] =	vst v7  }
0xb1: {  	v11 =	vor.u32 $0x15, v2;
	v12 =	vld.idx.msk [tilespmem:v12+s11+$0x0], $0xffff;
	[tilespmem:s21+$0x200] =	vst v10  }
0xb2: {  	v7 =	vor.u32 $0x16, v3;
	v10 =	vld.idx.msk [tilespmem:v14+s11+$0x0], $0xffff;
	[tilespmem:s23+$0x200] =	vst v5  }
0xb3: {  	v5 =	vld.idx.msk [tilespmem:v17+s11+$0x0], $0xffff;
	v14 =	vor.u32 $0x6, v42;
	[tilespmem:s22+$0x200] =	vst v15  }
0xb4: {  	v13 =	vld.idx.msk [tilespmem:v13+s11+$0x0], $0xffff;
	v15 =	vor.u32 $0x19, v4;
	[tilespmem:s17+$0x8280] =	vst v16  }
0xb5: {  	v17 =	vor.u32 $0x6, v45;
	v8 =	vld.idx.msk [tilespmem:v8+s11+$0x0], $0xffff;
	[tilespmem:s18+$0x8280] =	vst v9  }
0xb6: {  	v16 =	vor.u32 $0x6, v6;
	v9 =	vld.idx.msk [tilespmem:v11+s11+$0x0], $0xffff;
	[tilespmem:s20+$0x280] =	vst v12  }
0xb7: {  	v11 =	vor.u32 $0x6, v48;
	v7 =	vld.idx.msk [tilespmem:v7+s11+$0x0], $0xffff;
	[tilespmem:s26+$0xC000] =	vst v10  }
0xb8: {  	v12 =	vor.u32 $0x16, v1;
	v14 =	vld.idx.msk [tilespmem:v14+s11+$0x0], $0xffff;
	[tilespmem:s21+$0x280] =	vst v5  }
0xb9: {  	v10 =	vor.u32 $0x16, v2;
	v5 =	vld.idx.msk [tilespmem:v15+s11+$0x0], $0xffff;
	[tilespmem:s23+$0x280] =	vst v13  }
0xba: {  	v13 =	vld.idx.msk [tilespmem:v17+s11+$0x0], $0xffff;
	v15 =	vor.u32 $0x7, v42;
	[tilespmem:s22+$0x280] =	vst v8  }
0xbb: {  	v16 =	vld.idx.msk [tilespmem:v16+s11+$0x0], $0xffff;
	v8 =	vor.u32 $0x1A, v4;
	[tilespmem:s19+$0x8280] =	vst v9  }
0xbc: {  	v17 =	vor.u32 $0x7, v45;
	v11 =	vld.idx.msk [tilespmem:v11+s11+$0x0], $0xffff;
	[tilespmem:s17+$0x8300] =	vst v7  }
0xbd: {  	v9 =	vor.u32 $0x7, v6;
	v7 =	vld.idx.msk [tilespmem:v12+s11+$0x0], $0xffff;
	[tilespmem:s20+$0x300] =	vst v14  }
0xbe: {  	v12 =	vor.u32 $0x7, v48;
	v10 =	vld.idx.msk [tilespmem:v10+s11+$0x0], $0xffff;
	[tilespmem:s26+$0xC080] =	vst v5  }
0xbf: {  	v14 =	vor.u32 $0x17, v3;
	v15 =	vld.idx.msk [tilespmem:v15+s11+$0x0], $0xffff;
	[tilespmem:s21+$0x300] =	vst v13  }
0xc0: {  	v5 =	vor.u32 $0x17, v1;
	v8 =	vld.idx.msk [tilespmem:v8+s11+$0x0], $0xffff;
	[tilespmem:s23+$0x300] =	vst v16  }
0xc1: {  	v13 =	vld.idx.msk [tilespmem:v17+s11+$0x0], $0xffff;
	v16 =	vor.u32 $0x8, v42;
	[tilespmem:s22+$0x300] =	vst v11  }
0xc2: {  	v9 =	vld.idx.msk [tilespmem:v9+s11+$0x0], $0xffff;
	v11 =	vor.u32 $0x1B, v4;
	[tilespmem:s18+$0x8300] =	vst v7  }
0xc3: {  	v17 =	vor.u32 $0x8, v45;
	v12 =	vld.idx.msk [tilespmem:v12+s11+$0x0], $0xffff;
	[tilespmem:s19+$0x8300] =	vst v10  }
0xc4: {  	v7 =	vor.u32 $0x8, v6;
	v14 =	vld.idx.msk [tilespmem:v14+s11+$0x0], $0xffff;
	[tilespmem:s20+$0x380] =	vst v15  }
0xc5: {  	v10 =	vor.u32 $0x8, v48;
	v5 =	vld.idx.msk [tilespmem:v5+s11+$0x0], $0xffff;
	[tilespmem:s26+$0xC100] =	vst v8  }
0xc6: {  	v15 =	vor.u32 $0x17, v2;
	v16 =	vld.idx.msk [tilespmem:v16+s11+$0x0], $0xffff;
	[tilespmem:s21+$0x380] =	vst v13  }
0xc7: {  	v8 =	vor.u32 $0x18, v3;
	v11 =	vld.idx.msk [tilespmem:v11+s11+$0x0], $0xffff;
	[tilespmem:s23+$0x380] =	vst v9  }
0xc8: {  	v13 =	vor.u32 $0x9, v42;
	v9 =	vld.idx.msk [tilespmem:v17+s11+$0x0], $0xffff;
	[tilespmem:s22+$0x380] =	vst v12  }
0xc9: {  	v7 =	vld.idx.msk [tilespmem:v7+s11+$0x0], $0xffff;
	v12 =	vor.u32 $0x1C, v4;
	[tilespmem:s17+$0x8380] =	vst v14  }
0xca: {  	v17 =	vor.u32 $0x9, v45;
	v10 =	vld.idx.msk [tilespmem:v10+s11+$0x0], $0xffff;
	[tilespmem:s18+$0x8380] =	vst v5  }
0xcb: {  	v14 =	vor.u32 $0x9, v6;
	v5 =	vld.idx.msk [tilespmem:v15+s11+$0x0], $0xffff;
	[tilespmem:s20+$0x4000] =	vst v16  }
0xcc: {  	v15 =	vor.u32 $0x9, v48;
	v8 =	vld.idx.msk [tilespmem:v8+s11+$0x0], $0xffff;
	[tilespmem:s26+$0xC180] =	vst v11  }
0xcd: {  	v16 =	vor.u32 $0x18, v1;
	v13 =	vld.idx.msk [tilespmem:v13+s11+$0x0], $0xffff;
	[tilespmem:s21+$0x4000] =	vst v9  }
0xce: {  	v11 =	vor.u32 $0x18, v2;
	v9 =	vld.idx.msk [tilespmem:v12+s11+$0x0], $0xffff;
	[tilespmem:s23+$0x4000] =	vst v7  }
0xcf: {  	v7 =	vld.idx.msk [tilespmem:v17+s11+$0x0], $0xffff;
	v12 =	vor.u32 $0xA, v42;
	[tilespmem:s22+$0x4000] =	vst v10  }
0xd0: {  	v14 =	vld.idx.msk [tilespmem:v14+s11+$0x0], $0xffff;
	v10 =	vor.u32 $0x1D, v4;
	[tilespmem:s19+$0x8380] =	vst v5  }
0xd1: {  	v17 =	vor.u32 $0xA, v45;
	v15 =	vld.idx.msk [tilespmem:v15+s11+$0x0], $0xffff;
	[tilespmem:s17+$0xC000] =	vst v8  }
0xd2: {  	v5 =	vor.u32 $0xA, v6;
	v8 =	vld.idx.msk [tilespmem:v16+s11+$0x0], $0xffff;
	[tilespmem:s20+$0x4080] =	vst v13  }
0xd3: {  	v16 =	vor.u32 $0xA, v48;
	v11 =	vld.idx.msk [tilespmem:v11+s11+$0x0], $0xffff;
	[tilespmem:s26+$0xC200] =	vst v9  }
0xd4: {  	v13 =	vor.u32 $0x19, v3;
	v12 =	vld.idx.msk [tilespmem:v12+s11+$0x0], $0xffff;
	[tilespmem:s21+$0x4080] =	vst v7  }
0xd5: {  	v9 =	vor.u32 $0x19, v1;
	v7 =	vld.idx.msk [tilespmem:v10+s11+$0x0], $0xffff;
	[tilespmem:s23+$0x4080] =	vst v14  }
0xd6: {  	v10 =	vld.idx.msk [tilespmem:v17+s11+$0x0], $0xffff;
	v14 =	vor.u32 $0xB, v42;
	[tilespmem:s22+$0x4080] =	vst v15  }
0xd7: {  	v5 =	vld.idx.msk [tilespmem:v5+s11+$0x0], $0xffff;
	v15 =	vor.u32 $0x1E, v4;
	[tilespmem:s18+$0xC000] =	vst v8  }
0xd8: {  	v17 =	vor.u32 $0xB, v45;
	v16 =	vld.idx.msk [tilespmem:v16+s11+$0x0], $0xffff;
	[tilespmem:s19+$0xC000] =	vst v11  }
0xd9: {  	v8 =	vor.u32 $0xB, v6;
	v13 =	vld.idx.msk [tilespmem:v13+s11+$0x0], $0xffff;
	[tilespmem:s20+$0x4100] =	vst v12  }
0xda: {  	v11 =	vor.u32 $0xB, v48;
	v9 =	vld.idx.msk [tilespmem:v9+s11+$0x0], $0xffff;
	[tilespmem:s26+$0xC280] =	vst v7  }
0xdb: {  	v12 =	vor.u32 $0x19, v2;
	v14 =	vld.idx.msk [tilespmem:v14+s11+$0x0], $0xffff;
	[tilespmem:s21+$0x4100] =	vst v10  }
0xdc: {  	v7 =	vor.u32 $0x1A, v3;
	v10 =	vld.idx.msk [tilespmem:v15+s11+$0x0], $0xffff;
	[tilespmem:s23+$0x4100] =	vst v5  }
0xdd: {  	v5 =	vld.idx.msk [tilespmem:v17+s11+$0x0], $0xffff;
	v15 =	vor.u32 $0xC, v42;
	[tilespmem:s22+$0x4100] =	vst v16  }
0xde: {  	v4 =	vor.u32 $0x1F, v4;
	v8 =	vld.idx.msk [tilespmem:v8+s11+$0x0], $0xffff;
	[tilespmem:s17+$0xC080] =	vst v13  }
0xdf: {  	v16 =	vor.u32 $0xC, v45;
	v11 =	vld.idx.msk [tilespmem:v11+s11+$0x0], $0xffff;
	[tilespmem:s18+$0xC080] =	vst v9  }
0xe0: {  	v13 =	vor.u32 $0xC, v6;
	v9 =	vld.idx.msk [tilespmem:v12+s11+$0x0], $0xffff;
	[tilespmem:s20+$0x4180] =	vst v14  }
0xe1: {  	v12 =	vor.u32 $0xC, v48;
	v7 =	vld.idx.msk [tilespmem:v7+s11+$0x0], $0xffff;
	[tilespmem:s26+$0xC300] =	vst v10  }
0xe2: {  	v14 =	vor.u32 $0x1A, v1;
	v15 =	vld.idx.msk [tilespmem:v15+s11+$0x0], $0xffff;
	[tilespmem:s21+$0x4180] =	vst v5  }
0xe3: {  	v10 =	vor.u32 $0x1A, v2;
	v4 =	vld.idx.msk [tilespmem:v4+s11+$0x0], $0xffff;
	[tilespmem:s23+$0x4180] =	vst v8  }
0xe4: {  	v5 =	vld.idx.msk [tilespmem:v16+s11+$0x0], $0xffff;
	v8 =	vor.u32 $0xD, v42;
	[tilespmem:s22+$0x4180] =	vst v11  }
0xe5: {  	v16 =	vor.u32 $0x1B, v3;
	v13 =	vld.idx.msk [tilespmem:v13+s11+$0x0], $0xffff;
	[tilespmem:s19+$0xC080] =	vst v9  }
0xe6: {  	v11 =	vor.u32 $0xD, v45;
	v12 =	vld.idx.msk [tilespmem:v12+s11+$0x0], $0xffff;
	[tilespmem:s17+$0xC100] =	vst v7  }
0xe7: {  	v9 =	vor.u32 $0xD, v6;
	v7 =	vld.idx.msk [tilespmem:v14+s11+$0x0], $0xffff;
	[tilespmem:s20+$0x4200] =	vst v15  }
0xe8: {  	v14 =	vor.u32 $0xD, v48;
	v10 =	vld.idx.msk [tilespmem:v10+s11+$0x0], $0xffff;
	[tilespmem:s26+$0xC380] =	vst v4  }
0xe9: {  	v15 =	vor.u32 $0x1B, v1;
	v8 =	vld.idx.msk [tilespmem:v8+s11+$0x0], $0xffff;
	[tilespmem:s21+$0x4200] =	vst v5  }
0xea: {  	v4 =	vor.u32 $0x1B, v2;
	v5 =	vld.idx.msk [tilespmem:v16+s11+$0x0], $0xffff;
	[tilespmem:s23+$0x4200] =	vst v13  }
0xeb: {  	v11 =	vld.idx.msk [tilespmem:v11+s11+$0x0], $0xffff;
	v13 =	vor.u32 $0xE, v42;
	[tilespmem:s22+$0x4200] =	vst v12  }
0xec: {  	v16 =	vor.u32 $0x1C, v3;
	v9 =	vld.idx.msk [tilespmem:v9+s11+$0x0], $0xffff;
	[tilespmem:s18+$0xC100] =	vst v7  }
0xed: {  	v12 =	vor.u32 $0xE, v45;
	v14 =	vld.idx.msk [tilespmem:v14+s11+$0x0], $0xffff;
	[tilespmem:s19+$0xC100] =	vst v10  }
0xee: {  	v7 =	vor.u32 $0xE, v6;
	v15 =	vld.idx.msk [tilespmem:v15+s11+$0x0], $0xffff;
	[tilespmem:s20+$0x4280] =	vst v8  }
0xef: {  	v10 =	vor.u32 $0xE, v48;
	v4 =	vld.idx.msk [tilespmem:v4+s11+$0x0], $0xffff;
	[tilespmem:s17+$0xC180] =	vst v5  }
0xf0: {  	v8 =	vor.u32 $0x1C, v1;
	v13 =	vld.idx.msk [tilespmem:v13+s11+$0x0], $0xffff;
	[tilespmem:s21+$0x4280] =	vst v11  }
0xf1: {  	v5 =	vor.u32 $0x1C, v2;
	v11 =	vld.idx.msk [tilespmem:v16+s11+$0x0], $0xffff;
	[tilespmem:s23+$0x4280] =	vst v9  }
0xf2: {  	v9 =	vld.idx.msk [tilespmem:v12+s11+$0x0], $0xffff;
	v12 =	vor.u32 $0xF, v42;
	[tilespmem:s22+$0x4280] =	vst v14  }
0xf3: {  	v18 =	vor.u32 $0x1E, v3;
	v19 =	vor.u32 $0x1D, v2;
	v16 =	vor.u32 $0x1D, v3;
	v7 =	vld.idx.msk [tilespmem:v7+s11+$0x0], $0xffff;
	[tilespmem:s18+$0xC180] =	vst v15  }
0xf4: {  	v21 =	vor.u32 $0x1E, v2;
	v22 =	vor.u32 $0x1F, v1;
	v20 =	vor.u32 $0xF, v45;
	v10 =	vld.idx.msk [tilespmem:v10+s11+$0x0], $0xffff;
	[tilespmem:s19+$0xC180] =	vst v4  }
0xf5: {  	v24 =	vor.u32 $0x1F, v2;
	v15 =	vor.u32 $0x1F, v3;
	v3 =	vor.u32 $0xF, v6;
	v8 =	vld.idx.msk [tilespmem:v8+s11+$0x0], $0xffff;
	[tilespmem:s20+$0x4300] =	vst v13  }
0xf6: {  	v17 =	vor.u32 $0x1D, v1;
	v14 =	vor.u32 $0x1E, v1;
	v1 =	vor.u32 $0xF, v48;
	v2 =	vld.idx.msk [tilespmem:v5+s11+$0x0], $0xffff;
	[tilespmem:s17+$0xC200] =	vst v11  }
0xf7: {  	v12 =	vld.idx.msk [tilespmem:v12+s11+$0x0], $0xffff;
	[tilespmem:s21+$0x4300] =	vst v9  }
0xf8: {  	v9 =	vld.idx.msk [tilespmem:v16+s11+$0x0], $0xffff;
	[tilespmem:s23+$0x4300] =	vst v7  }
0xf9: {  	v55 =	vor.u32 $0x11, v48;
	v61 =	vor.u32 $0x12, v48;
	v62 =	vor.u32 $0x13, v48;
	v7 =	vld.idx.msk [tilespmem:v20+s11+$0x0], $0xffff;
	[tilespmem:s22+$0x4300] =	vst v10  }
0xfa: {  	v53 =	vor.u32 $0x15, v48;
	v46 =	vor.u32 $0x16, v48;
	v0 =	vor.u32 $0x14, v45;
	v3 =	vld.idx.msk [tilespmem:v3+s11+$0x0], $0xffff;
	[tilespmem:s18+$0xC200] =	vst v8  }
0xfb: {  	v38 =	vor.u32 $0x17, v48;
	v16 =	vor.u32 $0x10, v42;
	v1 =	vld.idx.msk [tilespmem:v1+s11+$0x0], $0xffff;
	[tilespmem:$0x1FFD0] =	vst v0;
	v0 =	vor.u32 $0x14, v48  }
0xfc: {  	v35 =	vor.u32 $0x18, v48;
	v36 =	vor.u32 $0x19, v48;
	v31 =	vor.u32 $0x1A, v48;
	[tilespmem:$0x1FFE0] =	vst v0  }
0xfd: {  	v28 =	vor.u32 $0x1B, v48;
	v5 =	vor.u32 $0x10, v45;
	[tilespmem:s19+$0xC200] =	vst v2;
	v2 =	vor.u32 $0x15, v45  }
0xfe: {  	v54 =	vor.u32 $0x1F, v48;
	v56 =	vor.u32 $0x11, v6;
	v4 =	vor.u32 $0x10, v6;
	v8 =	vld.idx.msk [tilespmem:v17+s11+$0x0], $0xffff;
	[tilespmem:$0x1FFF0] =	vst v2  }
0xff: {  	v40 =	vor.u32 $0x12, v6;
	v43 =	vor.u32 $0x13, v6;
	v13 =	vor.u32 $0x10, v48;
	[tilespmem:s20+$0x4380] =	vst v12;
	v2 =	vld.idx.msk [tilespmem:v19+s11+$0x0], $0xffff  }
0x100: {  	v39 =	vor.u32 $0x14, v6;
	v52 =	vor.u32 $0x15, v6;
	v51 =	vor.u32 $0x16, v6;
	[tilespmem:s17+$0xC280] =	vst v9;
	v10 =	vld.idx.msk [tilespmem:v16+s11+$0x0], $0xffff  }
0x101: {  	v59 =	vor.u32 $0x17, v6;
	v32 =	vor.u32 $0x18, v6;
	v29 =	vor.u32 $0x19, v6;
	[tilespmem:s21+$0x4380] =	vst v7;
	v9 =	vld.idx.msk [tilespmem:v18+s11+$0x0], $0xffff  }
0x102: {  	v27 =	vor.u32 $0x1A, v6;
	v23 =	vor.u32 $0x1B, v6;
	[tilespmem:s23+$0x4380] =	vst v3;
	v7 =	vor.u32 $0x11, v42;
	v12 =	vld.idx.msk [tilespmem:v5+s11+$0x0], $0xffff  }
0x103: {  	v49 =	vor.u32 $0x12, v45;
	v44 =	vor.u32 $0x13, v45;
	v47 =	vor.u32 $0x16, v45;
	[tilespmem:s22+$0x4380] =	vst v1;
	v16 =	vld.idx.msk [tilespmem:v4+s11+$0x0], $0xffff  }
0x104: {  	v37 =	vor.u32 $0x17, v45;
	v33 =	vor.u32 $0x18, v45;
	v11 =	vor.u32 $0x11, v45;
	v5 =	vld.idx.msk [tilespmem:v13+s11+$0x0], $0xffff;
	[tilespmem:s18+$0xC280] =	vst v8  }
0x105: {  	v30 =	vor.u32 $0x19, v45;
	v26 =	vor.u32 $0x1A, v45;
	v25 =	vor.u32 $0x1B, v45;
	v3 =	vld.idx.msk [tilespmem:v14+s11+$0x0], $0xffff;
	[tilespmem:s19+$0xC280] =	vst v2  }
0x106: {  	v50 =	vor.u32 $0x1F, v45;
	v20 =	vor.u32 $0x1D, v48;
	v17 =	vor.u32 $0x1D, v45;
	[tilespmem:s20+$0x8000] =	vst v10;
	v2 =	vld.idx.msk [tilespmem:v21+s11+$0x0], $0xffff  }
0x107: {  	v19 =	vor.u32 $0x1C, v45;
	v18 =	vor.u32 $0x1C, v6;
	v13 =	vor.u32 $0x1E, v6;
	[tilespmem:s17+$0xC300] =	vst v9;
	v7 =	vld.idx.msk [tilespmem:v7+s11+$0x0], $0xffff  }
0x108: {  	v14 =	vor.u32 $0x1D, v6;
	v21 =	vor.u32 $0x1C, v48;
	v10 =	vor.u32 $0x1E, v45;
	[tilespmem:s21+$0x8000] =	vst v12;
	v4 =	vld.idx.msk [tilespmem:v15+s11+$0x0], $0xffff  }
0x109: {  	s28 =	simm.s32 $0xA0;
	s26 =	simm.s32 $0x4;
	v9 =	vor.u32 $0x1F, v6;
	v12 =	vor.u32 $0x1E, v48;
	[tilespmem:s23+$0x8000] =	vst v16;
	v6 =	vor.u32 $0x12, v42;
	v1 =	vld.idx.msk [tilespmem:v11+s11+$0x0], $0xffff  }
.LBB2_2:
0x10a: {  	[tilespmem:$0x1FD40] =	vst v36  }
0x10b: {  	[tilespmem:$0x1FCB0] =	vst v33  }
0x10c: {  	[tilespmem:$0x1FCF0] =	vst v29  }
0x10d: {  	[tilespmem:$0x1FD00] =	vst v30  }
0x10e: {  	[tilespmem:$0x1FD50] =	vst v27  }
0x10f: {  	[tilespmem:$0x1FDB0] =	vst v31  }
0x110: {  	[tilespmem:$0x1FDA0] =	vst v26  }
0x111: {  	[tilespmem:$0x1FE20] =	vst v18  }
0x112: {  	[tilespmem:$0x1FE70] =	vst v19  }
0x113: {  	[tilespmem:$0x1FE10] =	vst v28  }
0x114: {  	[tilespmem:$0x1FDC0] =	vst v23  }
0x115: {  	[tilespmem:$0x1FE00] =	vst v25  }
0x116: {  	[tilespmem:$0x1FEA0] =	vst v14  }
0x117: {  	[tilespmem:$0x1FE90] =	vst v21  }
0x118: {  	[tilespmem:$0x1FF00] =	vst v20  }
0x119: {  	[tilespmem:$0x1FF20] =	vst v13  }
0x11a: {  	[tilespmem:$0x1FF90] =	vst v12  }
0x11b: {  	v8 =	vld [tilespmem:s28+$0x10];
	[tilespmem:s22+$0x8000] =	vst v5  }
0x11c: {  	v5 =	vld [tilespmem:s28+$0xFFFFFFF0];
	[tilespmem:s18+$0xC300] =	vst v3  }
0x11d: {  	v3 =	vld [tilespmem:s28+$0x0];
	[tilespmem:s19+$0xC300] =	vst v2  }
0x11e: {  	v2 =	vld [tilespmem:s28+$0xFFFFFFE0];
	[tilespmem:s17+$0xC380] =	vst v4  }
0x11f: {  	[tilespmem:$0x1FF70] =	vst v10;
	v4 =	vld.idx.msk [tilespmem:v56+s11+$0x0], $0xffff  }
0x120: {  	[tilespmem:$0x1FFB0] =	vst v9  }
0x121: {  	v0 =	vmov v54;
	[tilespmem:s20+$0x8080] =	vst v7  }
0x122: {  	[tilespmem:$0x1FC30] =	vst v0;
	v6 =	vld.idx.msk [tilespmem:v6+s11+$0x0], $0xffff;
	v48 =	vshll.u32 v8, $0x5  }
0x123: {  	s17 =	smov.u32 s23;
	[tilespmem:s21+$0x8080] =	vst v1;
	v8 =	vld.idx.msk [tilespmem:v55+s11+$0x0], $0xffff;
	v1 =	vshll.u32 v2, $0x5  }
0x124: {  	v20 =	vshll.u32 v5, $0x5;
	v12 =	vld.idx.msk [tilespmem:v49+s11+$0x0], $0xffff;
	[tilespmem:s17+$0x8080] =	vst v4;
	v0 =	vor.u32 $0x8, v1  }
0x125: {  	v25 =	vld.idx.msk [tilespmem:v24+s11+$0x0], $0xffff;
	[tilespmem:$0x1FC50] =	vst v0;
	v0 =	vor.u32 $0x8, v20  }
0x126: {  	v2 =	vld.idx.msk [tilespmem:v22+s11+$0x0], $0xffff;
	[tilespmem:$0x1FC40] =	vst v0  }
0x127: {  	v23 =	vshll.u32 v3, $0x5;
	v26 =	vld.idx.msk [tilespmem:v48+s11+$0x0], $0xffff;
	[tilespmem:s20+$0x8100] =	vst v6  }
0x128: {  	[tilespmem:s22+$0x8080] =	vst v8  }
0x129: {  	v0 =	vor.u32 $0x7, v23;
	v29 =	vld.idx.msk [tilespmem:v20+s11+$0x0], $0xffff;
	[tilespmem:s21+$0x8100] =	vst v12  }
0x12a: {  	[tilespmem:$0x1FC20] =	vst v0  }
0x12b: {  	v10 =	vor.u32 $0x13, v42;
	[tilespmem:s18+$0xC380] =	vst v2  }
0x12c: {  	v0 =	vor.u32 $0x9, v1;
	v49 =	vld.idx.msk [tilespmem:v23+s11+$0x0], $0xffff;
	[tilespmem:s19+$0xC380] =	vst v25  }
0x12d: {  	s24 =	sadd.s32 $0x200, s24;
	[tilespmem:$0x1FC90] =	vst v0;
	v0 =	vor.u32 $0x9, v20  }
0x12e: {  	s25 =	sadd.s32 $0x40, s25;
	s0 =	sand.u32 $0x3C00, s24;
	[tilespmem:$0x1FC80] =	vst v0;
	v0 =	vor.u32 $0x8, v23  }
0x12f: {  	s29 =	sand.u32 $0x70, s25;
	s31 =	sadd.s32 $0x4800, s0;
	[tilespmem:$0x1FC60] =	vst v0;
	v0 =	vor.u32 $0xA, v1  }
0x130: {  	s29 =	sor.u32 s29, s31;
	v30 =	vor.u32 $0x1, v48;
	v28 =	vld.idx.msk [tilespmem:v10+s11+$0x0], $0xffff;
	s18 =	sadd.s32 $0xFFFFFFE0, s25;
	[tilespmem:$0x1FCD0] =	vst v0  }
0x131: {  	s30 =	sadd.s32 $0xFFFFFFD0, s25;
	v31 =	vld.idx.msk [tilespmem:v1+s11+$0x0], $0xffff;
	s18 =	sand.u32 $0x50, s18;
	v0 =	vor.u32 $0xA, v20;
	[tilespmem:s29+$0x0] =	vst v26  }
0x132: {  	s23 =	sand.u32 $0x40, s30;
	s30 =	sor.u32 s18, s31;
	[tilespmem:$0x1FCC0] =	vst v0  }
0x133: {  	s0 =	sadd.s32 $0xFFFFFFF0, s25;
	v40 =	vld.idx.msk [tilespmem:v40+s11+$0x0], $0xffff;
	v0 =	vor.u32 $0x9, v23;
	[tilespmem:s30+$0x0] =	vst v29  }
0x134: {  	s0 =	sand.u32 $0x60, s0;
	v16 =	vor.u32 $0x1, v1;
	v25 =	vld.idx.msk [tilespmem:v61+s11+$0x0], $0xffff;
	[tilespmem:$0x1FCA0] =	vst v0  }
0x135: {  	s23 =	sor.u32 s23, s31;
	s0 =	sor.u32 s0, s31;
	v15 =	vor.u32 $0x1, v23;
	v26 =	vld.idx.msk [tilespmem:v30+s11+$0x0], $0xffff;
	[tilespmem:s20+$0x8180] =	vst v28  }
0x136: {  	v13 =	vor.u32 $0x1, v20;
	s19 =	smov.u32 s22;
	s22 =	smov.u32 s0;
	[tilespmem:s23+$0x0] =	vst v31  }
0x137: {  	v0 =	vor.u32 $0xB, v1;
	[tilespmem:s22+$0x0] =	vst v49  }
0x138: {  	v45 =	vor.u32 $0x14, v42;
	[tilespmem:$0x1FD20] =	vst v0  }
0x139: {  	v16 =	vld.idx.msk [tilespmem:v16+s11+$0x0], $0xffff;
	[tilespmem:s17+$0x8100] =	vst v40  }
0x13a: {  	v0 =	vor.u32 $0xB, v20;
	v15 =	vld.idx.msk [tilespmem:v15+s11+$0x0], $0xffff;
	[tilespmem:s19+$0x8100] =	vst v25  }
0x13b: {  	v13 =	vld.idx.msk [tilespmem:v13+s11+$0x0], $0xffff;
	[tilespmem:$0x1FD10] =	vst v0;
	v0 =	vor.u32 $0xA, v23  }
0x13c: {  	[tilespmem:$0x1FCE0] =	vst v0;
	v0 =	vor.u32 $0xC, v1  }
0x13d: {  	v29 =	vor.u32 $0x2, v48;
	v28 =	vld.idx.msk [tilespmem:v45+s11+$0x0], $0xffff;
	[tilespmem:$0x1FD80] =	vst v0;
	v0 =	vor.u32 $0xB, v23  }
0x13e: {  	[tilespmem:$0x1FD30] =	vst v0  }
0x13f: {  	s18 =	smov.u32 s21;
	s21 =	smov.u32 s30;
	[tilespmem:s29+$0x80] =	vst v26  }
0x140: {  	v11 =	vor.u32 $0x2, v20;
	v25 =	vld.idx.msk [tilespmem:v44+s11+$0x0], $0xffff;
	v0 =	vor.u32 $0xC, v20;
	[tilespmem:s21+$0x80] =	vst v13  }
0x141: {  	v31 =	vld.idx.msk [tilespmem:v43+s11+$0x0], $0xffff;
	[tilespmem:$0x1FD70] =	vst v0  }
0x142: {  	v22 =	vor.u32 $0x2, v1;
	v26 =	vld.idx.msk [tilespmem:v29+s11+$0x0], $0xffff;
	[tilespmem:s20+$0x8200] =	vst v28  }
0x143: {  	[tilespmem:s23+$0x80] =	vst v16  }
0x144: {  	[tilespmem:s22+$0x80] =	vst v15  }
0x145: {  	v0 =	vor.u32 $0xC, v23;
	v11 =	vld.idx.msk [tilespmem:v11+s11+$0x0], $0xffff;
	[tilespmem:s18+$0x8180] =	vst v25  }
0x146: {  	v9 =	vor.u32 $0x2, v23;
	[tilespmem:$0x1FD90] =	vst v0  }
0x147: {  	v30 =	vor.u32 $0x15, v42;
	v0 =	vor.u32 $0xD, v1;
	v22 =	vld.idx.msk [tilespmem:v22+s11+$0x0], $0xffff;
	[tilespmem:s17+$0x8180] =	vst v31  }
0x148: {  	[tilespmem:$0x1FDE0] =	vst v0;
	v0 =	vor.u32 $0xD, v20  }
0x149: {  	[tilespmem:$0x1FDD0] =	vst v0;
	v0 =	vor.u32 $0xD, v23  }
0x14a: {  	[tilespmem:$0x1FDF0] =	vst v0;
	v0 =	vor.u32 $0xE, v1  }
0x14b: {  	v5 =	vor.u32 $0x3, v1;
	v9 =	vld.idx.msk [tilespmem:v9+s11+$0x0], $0xffff;
	[tilespmem:$0x1FE50] =	vst v0  }
0x14c: {  	v54 =	vor.u32 $0x3, v23;
	v13 =	vld.idx.msk [tilespmem:v30+s11+$0x0], $0xffff;
	[tilespmem:s29+$0x100] =	vst v26  }
0x14d: {  	v45 =	vmov v52;
	v52 =	vld.idx.msk [tilespmem:v62+s11+$0x0], $0xffff;
	v0 =	vor.u32 $0xE, v20;
	[tilespmem:s21+$0x100] =	vst v11  }
0x14e: {  	[tilespmem:$0x1FE40] =	vst v0  }
0x14f: {  	v55 =	vld.idx.msk [tilespmem:v39+s11+$0x0], $0xffff;
	[tilespmem:s23+$0x100] =	vst v22  }
0x150: {  	v0 =	vor.u32 $0xE, v23;
	[tilespmem:s22+$0x100] =	vst v9;
	v40 =	vld.idx.msk [tilespmem:v5+s11+$0x0], $0xffff  }
0x151: {  	[tilespmem:$0x1FE60] =	vst v0;
	v54 =	vld.idx.msk [tilespmem:v54+s11+$0x0], $0xffff  }
0x152: {  	v0 =	vor.u32 $0xF, v1;
	[tilespmem:s19+$0x8180] =	vst v52;
	v5 =	vld [tilespmem:$0x1FFD0]  }
0x153: {  	[tilespmem:$0x1FEC0] =	vst v0;
	v0 =	vor.u32 $0xF, v20  }
0x154: {  	[tilespmem:$0x1FEB0] =	vst v0;
	v0 =	vor.u32 $0xF, v23  }
0x155: {  	[tilespmem:$0x1FED0] =	vst v0;
	v0 =	vor.u32 $0x10, v1  }
0x156: {  	v16 =	vor.u32 $0x3, v48;
	[tilespmem:$0x1FF50] =	vst v0;
	v0 =	vor.u32 $0x10, v20  }
0x157: {  	[tilespmem:$0x1FF40] =	vst v0;
	v0 =	vor.u32 $0x10, v23  }
0x158: {  	[tilespmem:$0x1FF60] =	vst v0;
	v0 =	vor.u32 $0x11, v20  }
0x159: {  	v7 =	vor.u32 $0x3, v20;
	v6 =	vmovc v46;
	v46 =	vmovc v47;
	v47 =	vor.u32 $0x14, v20;
	[tilespmem:$0x1FFC0] =	vst v0;
	v0 =	vor.u32 $0x11, v23  }
0x15a: {  	[tilespmem:$0x1FE30] =	vst v0;
	v52 =	vld.idx.msk [tilespmem:v5+s11+$0x0], $0xffff;
	v5 =	vmov v47  }
0x15b: {  	v15 =	vor.u32 $0x16, v42;
	v57 =	vld.idx.msk [tilespmem:v16+s11+$0x0], $0xffff;
	[tilespmem:$0x1FFD0] =	vst v5;
	v5 =	vor.u32 $0x1C, v20  }
0x15c: {  	v56 =	vor.u32 $0x4, v20;
	v18 =	vor.u32 $0x6, v20;
	v0 =	vor.u32 $0x12, v1;
	[tilespmem:$0x1FE80] =	vst v5;
	v5 =	vld [tilespmem:$0x1FFE0]  }
0x15d: {  	v14 =	vor.u32 $0x7, v20;
	v41 =	vor.u32 $0x13, v20;
	v36 =	vor.u32 $0x15, v20;
	[tilespmem:s20+$0x8280] =	vst v13  }
0x15e: {  	v60 =	vmovc v51;
	v33 =	vor.u32 $0x17, v20;
	v58 =	vor.u32 $0x4, v1;
	v28 =	vor.u32 $0x14, v1;
	v51 =	vld.idx.msk [tilespmem:v7+s11+$0x0], $0xffff;
	[tilespmem:s17+$0x8200] =	vst v55  }
0x15f: {  	v21 =	vor.u32 $0x5, v1;
	v27 =	vor.u32 $0x4, v23;
	v24 =	vor.u32 $0x5, v23;
	[tilespmem:$0x1FFA0] =	vst v0;
	v0 =	vmovc v28  }
0x160: {  	v3 =	vmovc v50;
	v19 =	vor.u32 $0x6, v23;
	v4 =	vor.u32 $0x12, v20;
	v39 =	vor.u32 $0x4, v48;
	v50 =	vld.idx.msk [tilespmem:v15+s11+$0x0], $0xffff;
	[tilespmem:s29+$0x180] =	vst v57  }
0x161: {  	v63 =	vor.u32 $0x17, v23;
	v10 =	vor.u32 $0x5, v20;
	v2 =	vor.u32 $0x15, v23;
	[tilespmem:s23+$0x180] =	vst v40  }
0x162: {  	v61 =	vor.u32 $0x12, v23;
	v49 =	vor.u32 $0x14, v23;
	[tilespmem:$0x1FF10] =	vst v0;
	v0 =	vmovc v53;
	v53 =	vor.u32 $0x17, v42  }
0x163: {  	v44 =	vmovc v38;
	v38 =	vor.u32 $0x16, v23;
	v29 =	vor.u32 $0x13, v23;
	[tilespmem:s21+$0x180] =	vst v51;
	v51 =	vor.u32 $0x1E, v20  }
0x164: {  	v43 =	vmovc v37;
	v37 =	vor.u32 $0x16, v20;
	v62 =	vmovc v29;
	v30 =	vor.u32 $0x18, v20;
	v29 =	vor.u32 $0x18, v23;
	[tilespmem:$0x1FF80] =	vst v51;
	v47 =	vld.idx.msk [tilespmem:v5+s11+$0x0], $0xffff  }
0x165: {  	v26 =	vor.u32 $0x19, v20;
	v11 =	vor.u32 $0x1B, v23;
	v7 =	vor.u32 $0x19, v23;
	v5 =	vmovc v49;
	v49 =	vld.idx.msk [tilespmem:v39+s11+$0x0], $0xffff;
	[tilespmem:s20+$0x8300] =	vst v50  }
0x166: {  	v9 =	vor.u32 $0x1B, v20;
	v16 =	vor.u32 $0x1A, v23;
	v15 =	vor.u32 $0x1A, v20;
	v58 =	vld.idx.msk [tilespmem:v58+s11+$0x0], $0xffff;
	[tilespmem:s22+$0x180] =	vst v54  }
0x167: {  	v40 =	vor.u32 $0x1E, v23;
	v50 =	vor.u32 $0x1E, v1;
	v39 =	vor.u32 $0x1D, v23;
	[tilespmem:$0x1FFE0] =	vst v5;
	v51 =	vld.idx.msk [tilespmem:v53+s11+$0x0], $0xffff  }
0x168: {  	v54 =	vor.u32 $0x1F, v23;
	v5 =	vor.u32 $0x1D, v20;
	[tilespmem:$0x1FF30] =	vst v50;
	v53 =	vld.idx.msk [tilespmem:v56+s11+$0x0], $0xffff;
	v56 =	vor.u32 $0x5, v48  }
0x169: {  	v50 =	vor.u32 $0x1F, v20;
	v20 =	vor.u32 $0x18, v42;
	[tilespmem:$0x1FEF0] =	vst v5;
	v5 =	vor.u32 $0x1C, v23;
	v23 =	vld.idx.msk [tilespmem:v27+s11+$0x0], $0xffff  }
0x16a: {  	[tilespmem:s19+$0x8200] =	vst v47;
	v47 =	vld [tilespmem:$0x1FFF0]  }
0x16b: {  	v27 =	vld.idx.msk [tilespmem:v45+s11+$0x0], $0xffff;
	[tilespmem:s23+$0x200] =	vst v58  }
0x16c: {  	v21 =	vld.idx.msk [tilespmem:v21+s11+$0x0], $0xffff;
	[tilespmem:s29+$0x200] =	vst v49  }
0x16d: {  	v49 =	vmov v36;
	v36 =	vld.idx.msk [tilespmem:v56+s11+$0x0], $0xffff;
	[tilespmem:s20+$0x8380] =	vst v51  }
0x16e: {  	v20 =	vld.idx.msk [tilespmem:v20+s11+$0x0], $0xffff;
	[tilespmem:s22+$0x200] =	vst v23  }
0x16f: {  	v24 =	vld.idx.msk [tilespmem:v24+s11+$0x0], $0xffff  }
0x170: {  	v58 =	vor.u32 $0x6, v48;
	[tilespmem:s17+$0x8280] =	vst v27;
	v27 =	vld.idx.msk [tilespmem:v0+s11+$0x0], $0xffff  }
0x171: {  	v34 =	vor.u32 $0x15, v1;
	[tilespmem:s18+$0x8200] =	vst v52;
	v0 =	vld [tilespmem:$0x1FC20]  }
0x172: {  	[tilespmem:$0x1FEE0] =	vst v17;
	v52 =	vmov v34;
	v34 =	vld.idx.msk [tilespmem:v47+s11+$0x0], $0xffff  }
0x173: {  	v23 =	vor.u32 $0x19, v42;
	[tilespmem:s21+$0x200] =	vst v53;
	v53 =	vmov v2;
	v2 =	vld.idx.msk [tilespmem:v60+s11+$0x0], $0xffff  }
0x174: {  	v17 =	vor.u32 $0x6, v1;
	[tilespmem:s29+$0x280] =	vst v36;
	v47 =	vld.idx.msk [tilespmem:v10+s11+$0x0], $0xffff  }
0x175: {  	v60 =	vld.idx.msk [tilespmem:v58+s11+$0x0], $0xffff;
	[tilespmem:s20+$0xC000] =	vst v20  }
0x176: {  	[tilespmem:s22+$0x280] =	vst v24  }
0x177: {  	[tilespmem:s23+$0x280] =	vst v21;
	v21 =	vor.u32 $0x7, v48;
	v19 =	vld.idx.msk [tilespmem:v19+s11+$0x0], $0xffff  }
0x178: {  	v20 =	vld.idx.msk [tilespmem:v23+s11+$0x0], $0xffff;
	[tilespmem:s18+$0x8280] =	vst v34  }
0x179: {  	v17 =	vld.idx.msk [tilespmem:v17+s11+$0x0], $0xffff;
	[tilespmem:s21+$0x280] =	vst v47  }
0x17a: {  	[tilespmem:s19+$0x8280] =	vst v27;
	v18 =	vld.idx.msk [tilespmem:v18+s11+$0x0], $0xffff  }
0x17b: {  	v24 =	vld.idx.msk [tilespmem:v6+s11+$0x0], $0xffff;
	[tilespmem:s29+$0x300] =	vst v60  }
0x17c: {  	v21 =	vld.idx.msk [tilespmem:v21+s11+$0x0], $0xffff;
	[tilespmem:s22+$0x300] =	vst v19  }
0x17d: {  	[tilespmem:s20+$0xC080] =	vst v20;
	v20 =	vld.idx.msk [tilespmem:v0+s11+$0x0], $0xffff  }
0x17e: {  	v23 =	vor.u32 $0x1A, v42;
	[tilespmem:s17+$0x8300] =	vst v2;
	v0 =	vld [tilespmem:$0x1FC40]  }
0x17f: {  	v2 =	vld.idx.msk [tilespmem:v46+s11+$0x0], $0xffff;
	[tilespmem:s21+$0x300] =	vst v18  }
0x180: {  	v14 =	vld.idx.msk [tilespmem:v14+s11+$0x0], $0xffff;
	_ =	sdelay $0x2  }
0x181: {  	v18 =	vld.idx.msk [tilespmem:v23+s11+$0x0], $0xffff;
	[tilespmem:s29+$0x380] =	vst v21  }
0x182: {  	v12 =	vor.u32 $0x7, v1;
	[tilespmem:s18+$0x8300] =	vst v2  }
0x183: {  	v8 =	vor.u32 $0x13, v1;
	v21 =	vld.idx.msk [tilespmem:v43+s11+$0x0], $0xffff;
	[tilespmem:s21+$0x380] =	vst v14  }
0x184: {  	v43 =	vmov v8;
	v8 =	vld.idx.msk [tilespmem:v0+s11+$0x0], $0xffff  }
0x185: {  	v0 =	vld [tilespmem:$0x1FC50]  }
0x186: {  	[tilespmem:s23+$0x300] =	vst v17  }
0x187: {  	v12 =	vld.idx.msk [tilespmem:v12+s11+$0x0], $0xffff;
	_ =	sdelay $0x4  }
0x188: {  	v2 =	vld.idx.msk [tilespmem:v59+s11+$0x0], $0xffff;
	[tilespmem:s23+$0x380] =	vst v12  }
0x189: {  	v6 =	vld.idx.msk [tilespmem:v0+s11+$0x0], $0xffff  }
0x18a: {  	v0 =	vld [tilespmem:$0x1FC60];
	_ =	sdelay $0x5  }
0x18b: {  	[tilespmem:s19+$0x8300] =	vst v24  }
0x18c: {  	v17 =	vor.u32 $0x8, v48;
	[tilespmem:s22+$0x380] =	vst v20  }
0x18d: {  	[tilespmem:$0x1FC70] =	vst v32;
	v10 =	vld.idx.msk [tilespmem:v0+s11+$0x0], $0xffff  }
0x18e: {  	v0 =	vld [tilespmem:$0x1FC70];
	_ =	sdelay $0x1  }
0x18f: {  	v19 =	vor.u32 $0x1B, v42  }
0x190: {  	v17 =	vld.idx.msk [tilespmem:v17+s11+$0x0], $0xffff;
	_ =	sdelay $0x2  }
0x191: {  	[tilespmem:s20+$0xC100] =	vst v18  }
0x192: {  	v14 =	vld.idx.msk [tilespmem:v19+s11+$0x0], $0xffff;
	[tilespmem:s17+$0x8380] =	vst v2  }
0x193: {  	[tilespmem:s29+$0x4000] =	vst v17;
	v17 =	vld.idx.msk [tilespmem:v0+s11+$0x0], $0xffff  }
0x194: {  	v0 =	vld [tilespmem:$0x1FC80];
	_ =	sdelay $0x5  }
0x195: {  	[tilespmem:s18+$0x8380] =	vst v21  }
0x196: {  	[tilespmem:s21+$0x4000] =	vst v8  }
0x197: {  	[tilespmem:$0x1FFF0] =	vst v49;
	v49 =	vmov v4;
	v4 =	vld.idx.msk [tilespmem:v0+s11+$0x0], $0xffff  }
0x198: {  	v0 =	vld [tilespmem:$0x1FC90];
	_ =	sdelay $0x1  }
0x199: {  	v12 =	vor.u32 $0x9, v48;
	_ =	sdelay $0x4  }
0x19a: {  	v12 =	vld.idx.msk [tilespmem:v12+s11+$0x0], $0xffff;
	[tilespmem:s23+$0x4000] =	vst v6  }
0x19b: {  	[tilespmem:s20+$0xC180] =	vst v14;
	v14 =	vld.idx.msk [tilespmem:v0+s11+$0x0], $0xffff  }
0x19c: {  	v0 =	vld [tilespmem:$0x1FCA0]  }
0x19d: {  	v18 =	vor.u32 $0x1C, v42;
	_ =	sdelay $0x4  }
0x19e: {  	v8 =	vld.idx.msk [tilespmem:v18+s11+$0x0], $0xffff  }
0x19f: {  	v2 =	vld.idx.msk [tilespmem:v44+s11+$0x0], $0xffff;
	[tilespmem:s22+$0x4000] =	vst v10  }
0x1a0: {  	v18 =	vld.idx.msk [tilespmem:v0+s11+$0x0], $0xffff  }
0x1a1: {  	v0 =	vld [tilespmem:$0x1FCB0];
	_ =	sdelay $0x7  }
0x1a2: {  	[tilespmem:s19+$0x8380] =	vst v2;
	v2 =	vld.idx.msk [tilespmem:v0+s11+$0x0], $0xffff  }
0x1a3: {  	v0 =	vld [tilespmem:$0x1FCC0];
	_ =	sdelay $0x1  }
0x1a4: {  	v6 =	vor.u32 $0xA, v48;
	_ =	sdelay $0x3  }
0x1a5: {  	[tilespmem:s29+$0x4080] =	vst v12  }
0x1a6: {  	v6 =	vld.idx.msk [tilespmem:v6+s11+$0x0], $0xffff;
	[tilespmem:s21+$0x4080] =	vst v4  }
0x1a7: {  	[tilespmem:s20+$0xC200] =	vst v8;
	v8 =	vld.idx.msk [tilespmem:v0+s11+$0x0], $0xffff  }
0x1a8: {  	v0 =	vld [tilespmem:$0x1FCD0];
	_ =	sdelay $0x5  }
0x1a9: {  	[tilespmem:s17+$0xC000] =	vst v17  }
0x1aa: {  	[tilespmem:s23+$0x4080] =	vst v14  }
0x1ab: {  	v14 =	vld.idx.msk [tilespmem:v0+s11+$0x0], $0xffff  }
0x1ac: {  	v0 =	vld [tilespmem:$0x1FCE0];
	_ =	sdelay $0x1  }
0x1ad: {  	v25 =	vmov v35;
	_ =	sdelay $0x4  }
0x1ae: {  	v12 =	vld.idx.msk [tilespmem:v25+s11+$0x0], $0xffff;
	[tilespmem:s22+$0x4080] =	vst v18  }
0x1af: {  	v18 =	vld.idx.msk [tilespmem:v0+s11+$0x0], $0xffff  }
0x1b0: {  	v0 =	vld [tilespmem:$0x1FCF0];
	_ =	sdelay $0x7  }
0x1b1: {  	[tilespmem:s18+$0xC000] =	vst v2;
	v2 =	vld.idx.msk [tilespmem:v0+s11+$0x0], $0xffff  }
0x1b2: {  	v0 =	vld [tilespmem:$0x1FD00];
	_ =	sdelay $0x1  }
0x1b3: {  	v10 =	vor.u32 $0x1D, v42;
	_ =	sdelay $0x4  }
0x1b4: {  	v4 =	vld.idx.msk [tilespmem:v10+s11+$0x0], $0xffff  }
0x1b5: {  	[tilespmem:s29+$0x4100] =	vst v6;
	v6 =	vld.idx.msk [tilespmem:v0+s11+$0x0], $0xffff  }
0x1b6: {  	v0 =	vld [tilespmem:$0x1FD10];
	_ =	sdelay $0x6  }
0x1b7: {  	[tilespmem:s21+$0x4100] =	vst v8  }
0x1b8: {  	v8 =	vld.idx.msk [tilespmem:v0+s11+$0x0], $0xffff  }
0x1b9: {  	v0 =	vld [tilespmem:$0x1FD20];
	_ =	sdelay $0x6  }
0x1ba: {  	[tilespmem:s23+$0x4100] =	vst v14  }
0x1bb: {  	v14 =	vld.idx.msk [tilespmem:v0+s11+$0x0], $0xffff  }
0x1bc: {  	v0 =	vld [tilespmem:$0x1FD30];
	_ =	sdelay $0x5  }
0x1bd: {  	[tilespmem:s19+$0xC000] =	vst v12  }
0x1be: {  	[tilespmem:s22+$0x4100] =	vst v18  }
0x1bf: {  	v18 =	vld.idx.msk [tilespmem:v0+s11+$0x0], $0xffff  }
0x1c0: {  	v0 =	vld [tilespmem:$0x1FD40];
	_ =	sdelay $0x7  }
0x1c1: {  	[tilespmem:s17+$0xC080] =	vst v2;
	v2 =	vld.idx.msk [tilespmem:v0+s11+$0x0], $0xffff  }
0x1c2: {  	v0 =	vld [tilespmem:$0x1FD50];
	_ =	sdelay $0x7  }
0x1c3: {  	[tilespmem:s18+$0xC080] =	vst v6;
	v6 =	vld.idx.msk [tilespmem:v0+s11+$0x0], $0xffff  }
0x1c4: {  	v0 =	vld [tilespmem:$0x1FD70];
	_ =	sdelay $0x6  }
0x1c5: {  	[tilespmem:s21+$0x4180] =	vst v8  }
0x1c6: {  	v8 =	vld.idx.msk [tilespmem:v0+s11+$0x0], $0xffff  }
0x1c7: {  	v0 =	vld [tilespmem:$0x1FD80];
	_ =	sdelay $0x1  }
0x1c8: {  	v10 =	vor.u32 $0xB, v48;
	_ =	sdelay $0x2  }
0x1c9: {  	v17 =	vor.u32 $0x1E, v42;
	_ =	sdelay $0x1  }
0x1ca: {  	v10 =	vld.idx.msk [tilespmem:v10+s11+$0x0], $0xffff;
	[tilespmem:s23+$0x4180] =	vst v14  }
0x1cb: {  	v14 =	vld.idx.msk [tilespmem:v0+s11+$0x0], $0xffff  }
0x1cc: {  	[tilespmem:s20+$0xC280] =	vst v4;
	v0 =	vld [tilespmem:$0x1FD90]  }
0x1cd: {  	v4 =	vld.idx.msk [tilespmem:v17+s11+$0x0], $0xffff;
	v12 =	vor.u32 $0xC, v48  }
0x1ce: {  	v17 =	vor.u32 $0x1F, v42;
	_ =	sdelay $0x2  }
0x1cf: {  	[tilespmem:s29+$0x4180] =	vst v10  }
0x1d0: {  	v10 =	vld.idx.msk [tilespmem:v12+s11+$0x0], $0xffff;
	[tilespmem:s20+$0xC300] =	vst v4  }
0x1d1: {  	v4 =	vld.idx.msk [tilespmem:v17+s11+$0x0], $0xffff;
	[tilespmem:s22+$0x4180] =	vst v18  }
0x1d2: {  	v17 =	vld.idx.msk [tilespmem:v0+s11+$0x0], $0xffff  }
0x1d3: {  	v0 =	vld [tilespmem:$0x1FDA0];
	_ =	sdelay $0x7  }
0x1d4: {  	[tilespmem:s19+$0xC080] =	vst v2;
	v2 =	vld.idx.msk [tilespmem:v0+s11+$0x0], $0xffff  }
0x1d5: {  	v0 =	vld [tilespmem:$0x1FDB0];
	_ =	sdelay $0x7  }
0x1d6: {  	[tilespmem:s17+$0xC100] =	vst v6;
	v6 =	vld.idx.msk [tilespmem:v0+s11+$0x0], $0xffff  }
0x1d7: {  	v0 =	vld [tilespmem:$0x1FDC0]  }
0x1d8: {  	v42 =	vmov v48  }
0x1d9: {  	v12 =	vor.u32 $0xD, v42;
	_ =	sdelay $0x3  }
0x1da: {  	[tilespmem:s29+$0x4200] =	vst v10  }
0x1db: {  	v10 =	vld.idx.msk [tilespmem:v12+s11+$0x0], $0xffff  }
0x1dc: {  	[tilespmem:s20+$0xC380] =	vst v4;
	v4 =	vld.idx.msk [tilespmem:v0+s11+$0x0], $0xffff  }
0x1dd: {  	v0 =	vld [tilespmem:$0x1FDD0];
	_ =	sdelay $0x6  }
0x1de: {  	[tilespmem:s21+$0x4200] =	vst v8  }
0x1df: {  	v8 =	vld.idx.msk [tilespmem:v0+s11+$0x0], $0xffff  }
0x1e0: {  	v0 =	vld [tilespmem:$0x1FDE0];
	_ =	sdelay $0x6  }
0x1e1: {  	v13 =	vor.u32 $0x1B, v1;
	[tilespmem:s23+$0x4200] =	vst v14  }
0x1e2: {  	v23 =	vmov v13;
	v13 =	vld.idx.msk [tilespmem:v0+s11+$0x0], $0xffff  }
0x1e3: {  	v0 =	vld [tilespmem:$0x1FDF0];
	_ =	sdelay $0x6  }
0x1e4: {  	[tilespmem:s22+$0x4200] =	vst v17  }
0x1e5: {  	v14 =	vld.idx.msk [tilespmem:v0+s11+$0x0], $0xffff  }
0x1e6: {  	v0 =	vld [tilespmem:$0x1FE00];
	_ =	sdelay $0x6  }
0x1e7: {  	[tilespmem:s18+$0xC100] =	vst v2  }
0x1e8: {  	v2 =	vld.idx.msk [tilespmem:v0+s11+$0x0], $0xffff  }
0x1e9: {  	v0 =	vld [tilespmem:$0x1FE10];
	_ =	sdelay $0x6  }
0x1ea: {  	[tilespmem:s19+$0xC100] =	vst v6  }
0x1eb: {  	v6 =	vld.idx.msk [tilespmem:v0+s11+$0x0], $0xffff  }
0x1ec: {  	v0 =	vld [tilespmem:$0x1FE20];
	_ =	sdelay $0x6  }
0x1ed: {  	[tilespmem:s17+$0xC180] =	vst v4  }
0x1ee: {  	v4 =	vld.idx.msk [tilespmem:v0+s11+$0x0], $0xffff  }
0x1ef: {  	v0 =	vld [tilespmem:$0x1FE40];
	_ =	sdelay $0x6  }
0x1f0: {  	[tilespmem:s21+$0x4280] =	vst v8  }
0x1f1: {  	v36 =	vmov v7;
	v7 =	vld.idx.msk [tilespmem:v0+s11+$0x0], $0xffff  }
0x1f2: {  	v0 =	vld [tilespmem:$0x1FE50];
	_ =	sdelay $0x6  }
0x1f3: {  	s20 =	smov.u32 s29;
	[tilespmem:s23+$0x4280] =	vst v13  }
0x1f4: {  	[tilespmem:s20+$0x4280] =	vst v10;
	v10 =	vld.idx.msk [tilespmem:v0+s11+$0x0], $0xffff  }
0x1f5: {  	v0 =	vld [tilespmem:$0x1FE60];
	_ =	sdelay $0x4  }
0x1f6: {  	v35 =	vor.u32 $0x16, v1;
	v28 =	vor.u32 $0x19, v1;
	_ =	sdelay $0x1  }
0x1f7: {  	[tilespmem:s22+$0x4280] =	vst v14  }
0x1f8: {  	v51 =	vmovc v35;
	v35 =	vmov v29;
	v29 =	vmov v28;
	v28 =	vmov v11;
	v11 =	vld.idx.msk [tilespmem:v0+s11+$0x0], $0xffff  }
0x1f9: {  	v0 =	vld [tilespmem:$0x1FE70];
	_ =	sdelay $0x6  }
0x1fa: {  	[tilespmem:s18+$0xC180] =	vst v2  }
0x1fb: {  	v2 =	vld.idx.msk [tilespmem:v0+s11+$0x0], $0xffff  }
0x1fc: {  	v0 =	vld [tilespmem:$0x1FE80];
	_ =	sdelay $0x4  }
0x1fd: {  	v19 =	vmov v0;
	v0 =	vld [tilespmem:$0x1FE90];
	_ =	sdelay $0x5  }
0x1fe: {  	[tilespmem:$0x1FD60] =	vst v3  }
0x1ff: {  	v3 =	vor.u32 $0x11, v1;
	[tilespmem:s19+$0xC180] =	vst v6  }
0x200: {  	v56 =	vmov v3;
	v3 =	vld.idx.msk [tilespmem:v0+s11+$0x0], $0xffff  }
0x201: {  	v0 =	vld [tilespmem:$0x1FEA0];
	_ =	sdelay $0x6  }
0x202: {  	[tilespmem:s17+$0xC200] =	vst v4  }
0x203: {  	v4 =	vld.idx.msk [tilespmem:v0+s11+$0x0], $0xffff  }
0x204: {  	v0 =	vld [tilespmem:$0x1FEB0];
	_ =	sdelay $0x4  }
0x205: {  	v12 =	vor.u32 $0xE, v42;
	_ =	sdelay $0x1  }
0x206: {  	[tilespmem:s21+$0x4300] =	vst v7  }
0x207: {  	v6 =	vld.idx.msk [tilespmem:v0+s11+$0x0], $0xffff  }
0x208: {  	v0 =	vld [tilespmem:$0x1FEC0]  }
0x209: {  	v25 =	vmov v9;
	v9 =	vld.idx.msk [tilespmem:v12+s11+$0x0], $0xffff  }
0x20a: {  	v8 =	vor.u32 $0xF, v42;
	_ =	sdelay $0x3  }
0x20b: {  	[tilespmem:s20+$0x4300] =	vst v9  }
0x20c: {  	v21 =	vmov v5;
	v5 =	vld.idx.msk [tilespmem:v8+s11+$0x0], $0xffff;
	[tilespmem:s23+$0x4300] =	vst v10  }
0x20d: {  	v8 =	vld.idx.msk [tilespmem:v0+s11+$0x0], $0xffff  }
0x20e: {  	v0 =	vld [tilespmem:$0x1FED0];
	_ =	sdelay $0x6  }
0x20f: {  	[tilespmem:s22+$0x4300] =	vst v11  }
0x210: {  	v9 =	vld.idx.msk [tilespmem:v0+s11+$0x0], $0xffff  }
0x211: {  	v0 =	vld [tilespmem:$0x1FEE0];
	_ =	sdelay $0x6  }
0x212: {  	[tilespmem:s18+$0xC200] =	vst v2  }
0x213: {  	v2 =	vld.idx.msk [tilespmem:v0+s11+$0x0], $0xffff  }
0x214: {  	v0 =	vld [tilespmem:$0x1FEF0];
	_ =	sdelay $0x4  }
0x215: {  	v17 =	vmov v0;
	v0 =	vld [tilespmem:$0x1FF00];
	_ =	sdelay $0x6  }
0x216: {  	[tilespmem:s19+$0xC200] =	vst v3  }
0x217: {  	v10 =	vld.idx.msk [tilespmem:v0+s11+$0x0], $0xffff  }
0x218: {  	v0 =	vld [tilespmem:$0x1FF20];
	_ =	sdelay $0x6  }
0x219: {  	[tilespmem:s17+$0xC280] =	vst v4  }
0x21a: {  	v4 =	vld.idx.msk [tilespmem:v0+s11+$0x0], $0xffff  }
0x21b: {  	v0 =	vld [tilespmem:$0x1FF30];
	_ =	sdelay $0x4  }
0x21c: {  	v13 =	vmov v0;
	v0 =	vld [tilespmem:$0x1FF40];
	_ =	sdelay $0x6  }
0x21d: {  	[tilespmem:s21+$0x4380] =	vst v6  }
0x21e: {  	v6 =	vld.idx.msk [tilespmem:v0+s11+$0x0], $0xffff  }
0x21f: {  	v0 =	vld [tilespmem:$0x1FF50];
	_ =	sdelay $0x6  }
0x220: {  	[tilespmem:s23+$0x4380] =	vst v8  }
0x221: {  	v11 =	vld.idx.msk [tilespmem:v0+s11+$0x0], $0xffff  }
0x222: {  	v0 =	vld [tilespmem:$0x1FF60];
	_ =	sdelay $0x6  }
0x223: {  	[tilespmem:s22+$0x4380] =	vst v9  }
0x224: {  	[tilespmem:s20+$0x4380] =	vst v5;
	v5 =	vld.idx.msk [tilespmem:v0+s11+$0x0], $0xffff  }
0x225: {  	v0 =	vld [tilespmem:$0x1FF70];
	_ =	sdelay $0x6  }
0x226: {  	[tilespmem:s18+$0xC280] =	vst v2  }
0x227: {  	v3 =	vld.idx.msk [tilespmem:v0+s11+$0x0], $0xffff  }
0x228: {  	v0 =	vld [tilespmem:$0x1FF80];
	_ =	sdelay $0x4  }
0x229: {  	[tilespmem:s19+$0xC280] =	vst v10;
	v10 =	vmov v0;
	v0 =	vld [tilespmem:$0x1FF90];
	_ =	sdelay $0x7  }
0x22a: {  	v2 =	vld.idx.msk [tilespmem:v0+s11+$0x0], $0xffff  }
0x22b: {  	v0 =	vld [tilespmem:$0x1FFB0];
	_ =	sdelay $0x4  }
0x22c: {  	v7 =	vor.u32 $0x10, v42;
	_ =	sdelay $0x1  }
0x22d: {  	[tilespmem:s17+$0xC300] =	vst v4  }
0x22e: {  	v4 =	vld.idx.msk [tilespmem:v0+s11+$0x0], $0xffff  }
0x22f: {  	v0 =	vld [tilespmem:$0x1FFC0]  }
0x230: {  	v22 =	vor.u32 $0x1A, v1;
	v7 =	vld.idx.msk [tilespmem:v7+s11+$0x0], $0xffff  }
0x231: {  	s26 =	sadd.s32 $0x4, s26;
	v27 =	vmov v22;
	v22 =	vld [tilespmem:$0x1FD60];
	v8 =	vor.u32 $0x11, v42  }
0x232: {  	p0 =	slt.u32 s26, $0x7C;
	v24 =	vld [tilespmem:$0x1FC30]  }
.Ltmp0:
0x233: {  	v32 =	vor.u32 $0x17, v1;
	v31 =	vor.u32 $0x18, v1;
	v20 =	vmov v39;
	v39 =	vld [tilespmem:$0x1FF10];
	(pc) =	sbr.rel @p0 .LBB2_2-.Ltmp0, $4  }
0x234: {  	v55 =	vor.u32 $0x1C, v1;
	v57 =	vor.u32 $0x1D, v1;
	v1 =	vor.u32 $0x1F, v1;
	v12 =	vmovc v40;
	v40 =	vld [tilespmem:$0x1FFA0]  }
0x235: {  	v47 =	vmovc v37;
	v37 =	vmovc v33;
	v33 =	vmov v30;
	v30 =	vmov v26;
	v18 =	vmov v55;
	v55 =	vld [tilespmem:$0x1FE30];
	[tilespmem:s20+$0x8000] =	vst v7  }
0x236: {  	v26 =	vmovc v15;
	v46 =	vmovc v38;
	v38 =	vmov v63;
	v59 =	vmov v32;
	v32 =	vmov v31;
	v7 =	vld.idx.msk [tilespmem:v8+s11+$0x0], $0xffff;
	[tilespmem:s21+$0x8000] =	vst v6  }
0x237: {  	s28 =	sadd.s32 $0x40, s28;
	v31 =	vmovc v16;
	v44 =	vmovc v41;
	v14 =	vmov v57;
	v9 =	vmov v1;
	v6 =	vor.u32 $0x12, v42;
	[tilespmem:s23+$0x8000] =	vst v11;
	v1 =	vld.idx.msk [tilespmem:v0+s11+$0x0], $0xffff  }
0x238: {  	_ =	sdelay $0x4  }
0x239: {  	v8 =	vld.idx.msk [tilespmem:v56+s11+$0x0], $0xffff;
	[tilespmem:s22+$0x8000] =	vst v5  }
0x23a: {  	v5 =	vld.idx.msk [tilespmem:v55+s11+$0x0], $0xffff;
	_ =	sdelay $0x1  }
0x23b: {  	[tilespmem:s20+$0x8080] =	vst v7  }
0x23c: {  	v6 =	vld.idx.msk [tilespmem:v6+s11+$0x0], $0xffff;
	[tilespmem:s21+$0x8080] =	vst v1  }
0x23d: {  	v58 =	vor.u32 $0x13, v42;
	[tilespmem:s23+$0x8080] =	vst v8;
	v63 =	vld.idx.msk [tilespmem:v49+s11+$0x0], $0xffff  }
0x23e: {  	v60 =	vld.idx.msk [tilespmem:v40+s11+$0x0], $0xffff;
	[tilespmem:s22+$0x8080] =	vst v5  }
0x23f: {  	v5 =	vld.idx.msk [tilespmem:v61+s11+$0x0], $0xffff;
	_ =	sdelay $0x1  }
0x240: {  	[tilespmem:s20+$0x8100] =	vst v6  }
0x241: {  	v1 =	vld.idx.msk [tilespmem:v58+s11+$0x0], $0xffff;
	[tilespmem:s21+$0x8100] =	vst v63  }
0x242: {  	[tilespmem:s23+$0x8100] =	vst v60;
	v15 =	vld.idx.msk [tilespmem:v44+s11+$0x0], $0xffff  }
0x243: {  	v7 =	vld.idx.msk [tilespmem:v43+s11+$0x0], $0xffff;
	[tilespmem:s22+$0x8100] =	vst v5  }
0x244: {  	v0 =	vor.u32 $0x14, v42;
	v16 =	vld.idx.msk [tilespmem:v62+s11+$0x0], $0xffff;
	_ =	sdelay $0x1  }
0x245: {  	[tilespmem:s20+$0x8180] =	vst v1  }
0x246: {  	[tilespmem:s21+$0x8180] =	vst v15  }
0x247: {  	[tilespmem:s23+$0x8180] =	vst v7  }
0x248: {  	v1 =	vld.idx.msk [tilespmem:v0+s11+$0x0], $0xffff;
	[tilespmem:s22+$0x8180] =	vst v16  }
0x249: {  	v0 =	vld [tilespmem:$0x1FFD0]  }
0x24a: {  	v41 =	vld [tilespmem:$0x1FFE0];
	_ =	sdelay $0x5  }
0x24b: {  	v39 =	vld.idx.msk [tilespmem:v39+s11+$0x0], $0xffff  }
0x24c: {  	v40 =	vld.idx.msk [tilespmem:v0+s11+$0x0], $0xffff  }
0x24d: {  	v8 =	vld.idx.msk [tilespmem:v41+s11+$0x0], $0xffff;
	_ =	sdelay $0x1  }
0x24e: {  	[tilespmem:s20+$0x8200] =	vst v1  }
0x24f: {  	[tilespmem:s23+$0x8200] =	vst v39  }
0x250: {  	[tilespmem:s21+$0x8200] =	vst v40  }
0x251: {  	[tilespmem:s22+$0x8200] =	vst v8  }
0x252: {  	v34 =	vor.u32 $0x15, v42;
	v7 =	vld [tilespmem:$0x1FFF0];
	_ =	sdelay $0x4  }
0x253: {  	v1 =	vld.idx.msk [tilespmem:v34+s11+$0x0], $0xffff  }
0x254: {  	v43 =	vor.u32 $0x16, v42;
	v44 =	vld.idx.msk [tilespmem:v52+s11+$0x0], $0xffff  }
0x255: {  	v8 =	vld.idx.msk [tilespmem:v53+s11+$0x0], $0xffff  }
0x256: {  	v7 =	vld.idx.msk [tilespmem:v7+s11+$0x0], $0xffff;
	_ =	sdelay $0x1  }
0x257: {  	[tilespmem:s20+$0x8280] =	vst v1  }
0x258: {  	[tilespmem:s23+$0x8280] =	vst v44;
	v1 =	vld.idx.msk [tilespmem:v43+s11+$0x0], $0xffff  }
0x259: {  	v45 =	vor.u32 $0x17, v42;
	v6 =	vld.idx.msk [tilespmem:v51+s11+$0x0], $0xffff;
	[tilespmem:s22+$0x8280] =	vst v8  }
0x25a: {  	v8 =	vld.idx.msk [tilespmem:v46+s11+$0x0], $0xffff;
	[tilespmem:s21+$0x8280] =	vst v7  }
0x25b: {  	v7 =	vld.idx.msk [tilespmem:v47+s11+$0x0], $0xffff;
	_ =	sdelay $0x1  }
0x25c: {  	[tilespmem:s20+$0x8300] =	vst v1  }
0x25d: {  	[tilespmem:s23+$0x8300] =	vst v6;
	v1 =	vld.idx.msk [tilespmem:v45+s11+$0x0], $0xffff  }
0x25e: {  	v46 =	vor.u32 $0x18, v42;
	v6 =	vld.idx.msk [tilespmem:v59+s11+$0x0], $0xffff;
	[tilespmem:s22+$0x8300] =	vst v8  }
0x25f: {  	v8 =	vld.idx.msk [tilespmem:v38+s11+$0x0], $0xffff;
	[tilespmem:s21+$0x8300] =	vst v7  }
0x260: {  	v7 =	vld.idx.msk [tilespmem:v37+s11+$0x0], $0xffff;
	_ =	sdelay $0x1  }
0x261: {  	[tilespmem:s20+$0x8380] =	vst v1  }
0x262: {  	[tilespmem:s23+$0x8380] =	vst v6;
	v1 =	vld.idx.msk [tilespmem:v46+s11+$0x0], $0xffff  }
0x263: {  	v6 =	vld.idx.msk [tilespmem:v32+s11+$0x0], $0xffff;
	v47 =	vor.u32 $0x19, v42;
	[tilespmem:s22+$0x8380] =	vst v8  }
0x264: {  	v8 =	vld.idx.msk [tilespmem:v35+s11+$0x0], $0xffff;
	[tilespmem:s21+$0x8380] =	vst v7  }
0x265: {  	v7 =	vld.idx.msk [tilespmem:v33+s11+$0x0], $0xffff;
	_ =	sdelay $0x1  }
0x266: {  	[tilespmem:s20+$0xC000] =	vst v1  }
0x267: {  	[tilespmem:s23+$0xC000] =	vst v6;
	v1 =	vld.idx.msk [tilespmem:v47+s11+$0x0], $0xffff  }
0x268: {  	v48 =	vor.u32 $0x1A, v42;
	v6 =	vld.idx.msk [tilespmem:v29+s11+$0x0], $0xffff;
	[tilespmem:s22+$0xC000] =	vst v8  }
0x269: {  	v8 =	vld.idx.msk [tilespmem:v36+s11+$0x0], $0xffff;
	[tilespmem:s21+$0xC000] =	vst v7  }
0x26a: {  	v7 =	vld.idx.msk [tilespmem:v30+s11+$0x0], $0xffff;
	_ =	sdelay $0x1  }
0x26b: {  	[tilespmem:s20+$0xC080] =	vst v1  }
0x26c: {  	[tilespmem:s23+$0xC080] =	vst v6;
	v1 =	vld.idx.msk [tilespmem:v48+s11+$0x0], $0xffff  }
0x26d: {  	v49 =	vor.u32 $0x1B, v42;
	v6 =	vld.idx.msk [tilespmem:v27+s11+$0x0], $0xffff;
	[tilespmem:s22+$0xC080] =	vst v8  }
0x26e: {  	v8 =	vld.idx.msk [tilespmem:v31+s11+$0x0], $0xffff;
	[tilespmem:s21+$0xC080] =	vst v7  }
0x26f: {  	v7 =	vld.idx.msk [tilespmem:v26+s11+$0x0], $0xffff;
	_ =	sdelay $0x1  }
0x270: {  	[tilespmem:s20+$0xC100] =	vst v1  }
0x271: {  	[tilespmem:s23+$0xC100] =	vst v6;
	v1 =	vld.idx.msk [tilespmem:v49+s11+$0x0], $0xffff  }
0x272: {  	v51 =	vor.u32 $0x1C, v42;
	v6 =	vld.idx.msk [tilespmem:v23+s11+$0x0], $0xffff;
	[tilespmem:s22+$0xC100] =	vst v8  }
0x273: {  	v8 =	vld.idx.msk [tilespmem:v28+s11+$0x0], $0xffff;
	[tilespmem:s21+$0xC100] =	vst v7  }
0x274: {  	v7 =	vld.idx.msk [tilespmem:v25+s11+$0x0], $0xffff;
	_ =	sdelay $0x1  }
0x275: {  	[tilespmem:s20+$0xC180] =	vst v1  }
0x276: {  	[tilespmem:s23+$0xC180] =	vst v6;
	v1 =	vld.idx.msk [tilespmem:v51+s11+$0x0], $0xffff  }
0x277: {  	v52 =	vor.u32 $0x1D, v42;
	v6 =	vld.idx.msk [tilespmem:v18+s11+$0x0], $0xffff;
	[tilespmem:s22+$0xC180] =	vst v8  }
0x278: {  	v8 =	vld.idx.msk [tilespmem:v21+s11+$0x0], $0xffff;
	[tilespmem:s21+$0xC180] =	vst v7  }
0x279: {  	v7 =	vld.idx.msk [tilespmem:v19+s11+$0x0], $0xffff;
	_ =	sdelay $0x1  }
0x27a: {  	[tilespmem:s20+$0xC200] =	vst v1  }
0x27b: {  	[tilespmem:s23+$0xC200] =	vst v6;
	v1 =	vld.idx.msk [tilespmem:v52+s11+$0x0], $0xffff  }
0x27c: {  	v53 =	vor.u32 $0x1E, v42;
	v6 =	vld.idx.msk [tilespmem:v14+s11+$0x0], $0xffff;
	[tilespmem:s22+$0xC200] =	vst v8  }
0x27d: {  	v8 =	vld.idx.msk [tilespmem:v20+s11+$0x0], $0xffff;
	[tilespmem:s21+$0xC200] =	vst v7  }
0x27e: {  	v7 =	vld.idx.msk [tilespmem:v17+s11+$0x0], $0xffff  }
0x27f: {  	[tilespmem:s18+$0xC300] =	vst v3  }
0x280: {  	[tilespmem:s20+$0xC280] =	vst v1  }
0x281: {  	[tilespmem:s23+$0xC280] =	vst v6;
	v1 =	vld.idx.msk [tilespmem:v53+s11+$0x0], $0xffff  }
0x282: {  	v55 =	vor.u32 $0x1F, v42;
	v56 =	vld.idx.msk [tilespmem:v13+s11+$0x0], $0xffff;
	[tilespmem:s22+$0xC280] =	vst v8  }
0x283: {  	v58 =	vld.idx.msk [tilespmem:v12+s11+$0x0], $0xffff;
	[tilespmem:s21+$0xC280] =	vst v7  }
0x284: {  	[tilespmem:s19+$0xC300] =	vst v2;
	v57 =	vld.idx.msk [tilespmem:v10+s11+$0x0], $0xffff  }
0x285: {  	[tilespmem:s17+$0xC380] =	vst v4;
	v60 =	vld.idx.msk [tilespmem:v24+s11+$0x0], $0xffff  }
0x286: {  	v59 =	vld.idx.msk [tilespmem:v22+s11+$0x0], $0xffff;
	[tilespmem:s20+$0xC300] =	vst v1  }
0x287: {  	[tilespmem:s23+$0xC300] =	vst v56;
	v0 =	vld.idx.msk [tilespmem:v55+s11+$0x0], $0xffff  }
0x288: {  	v61 =	vld.idx.msk [tilespmem:v9+s11+$0x0], $0xffff;
	[tilespmem:s22+$0xC300] =	vst v58  }
0x289: {  	v63 =	vld.idx.msk [tilespmem:v54+s11+$0x0], $0xffff;
	[tilespmem:s21+$0xC300] =	vst v57  }
0x28a: {  	[tilespmem:s19+$0xC380] =	vst v60;
	v62 =	vld.idx.msk [tilespmem:v50+s11+$0x0], $0xffff  }
0x28b: {  	[tilespmem:s18+$0xC380] =	vst v59  }
0x28c: {  	[tilespmem:s20+$0xC380] =	vst v0  }
0x28d: {  	[tilespmem:s23+$0xC380] =	vst v61  }
0x28e: {  	[tilespmem:s22+$0xC380] =	vst v63  }
0x28f: {  	[tilespmem:s21+$0xC380] =	vst v62  }
0x290: {  	[hbm4b:s4+s2] =	stream.linear.scatter [tilespmem:s12], [sflag:$0x1], $0x4000, $0x38;
	[tilespmem:$0x14800] =	vst v63  }
0x291: {  	_ =	swait.ge [sflag:s10], $0x4000  }
0x292: {  	[sflag:s10] =	ssyncset.done $0x0  }
0x293: {  	[sflag:s10] =	ssyncadd.s32 $0xFFFFC000  }
0x294: {  	[hbm4b:s6+s2] =	stream.linear.scatter [tilespmem:s13], [sflag:$0x1], $0x4000, $0x38;
	[tilespmem:$0x14800] =	vst v63  }
0x295: {  	_ =	swait.ge [sflag:s10], $0x4000  }
0x296: {  	[sflag:s10] =	ssyncset.done $0x0  }
0x297: {  	[sflag:s10] =	ssyncadd.s32 $0xFFFFC000  }
0x298: {  	[hbm4b:s7+s2] =	stream.linear.scatter [tilespmem:s14], [sflag:$0x1], $0x4000, $0x38;
	[tilespmem:$0x14800] =	vst v63  }
0x299: {  	s16 =	sadd.s32 $0x1, s16;
	_ =	swait.ge [sflag:s10], $0x4000  }
0x29a: {  	p0 =	sne.s32 s16, s9;
	[sflag:s10] =	ssyncset.done $0x0  }
.Ltmp1:
0x29b: {  	[sflag:s10] =	ssyncadd.s32 $0xFFFFC000;
	(pc) =	sbr.rel @p0 .LBB2_1-.Ltmp1, $4  }
0x29c: {  	[hbm4b:s8+s2] =	stream.linear.scatter [tilespmem:s15], [sflag:$0x1], $0x4000, $0x38;
	[tilespmem:$0x14800] =	vst v63  }
0x29d: {  	_ =	swait.ge [sflag:s10], $0x4000  }
0x29e: {  	[sflag:s10] =	ssyncset.done $0x0  }
0x29f: {  	[sflag:s10] =	ssyncadd.s32 $0xFFFFC000  }
0x2a0: {  	_ =	sfence.sel $0x180000  }
0x2a1: {  	[bflag:$0x0] =	sbarrier.arrive $0xFFFF  }
0x2a2: {  	_ =	strace $0x90000047  }
0x2a3: {  	[bflag:$0x2] =	sbarrier.arrive $0xFFFF  }
0x2a4: {  	p0 =	sne.s32 s1, $0x0;
	s0 =	rddreg [dreg:$0x3]  }
0x2a5: {  	s0 =	sadd.s32 @!p0 $0x100000, s0  }
0x2a6: {  	[sflag:s0] =	ssyncadd.tile.s32 @!p0 $0x1;
	_ =	shalt  }
.Lfunc_end2:
_tile_overlayer_lowered:
.L_overlay_start_2:
0x2a7: {  	(tag) =	ssettag $0x2  }
0x2a8: {  	s0 =	rddreg [dreg:$0x0];
	s2 =	stileid.u32  }
0x2a9: {  	s1 =	rddreg [dreg:$0x1];
	p0 =	sne.s32 s2, $0x0  }
0x2aa: {  	s3 =	rddreg [dreg:$0x2];
	[bflag:$0x3] =	sbarrier.arrive $0xFFFF;
	s2 =	simm.s32 @!p0 $0x1C01  }
0x2ab: {  	[timem:s3], [sflag:s2] =	dma.local @!p0 [hbm:s0], s1  }
0x2ac: {  	s0 =	simm.s32 @!p0 $0x1  }
0x2ad: {  	_ =	swait.ge @!p0 [sflag:s0], s1  }
0x2ae: {  	s1 =	ssub.s32 @!p0 $0x0, s1;
	[sflag:s0] =	ssyncset.done @!p0 $0x0  }
0x2af: {  	[sflag:s0] =	ssyncadd.s32 @!p0 s1  }
0x2b0: {  	[bflag:$0x3] =	sbarrier.arrive $0xFFFF  }
0x2b1: {  	_ =	shalt  }

</sc_bundles>
